<compile_context>
chip_gen: v7x
topology: tpu7x:2x2x1
jax: 0.10.2.dev20260603
libtpu: 0.0.44.dev20260713+nightly
codegen_flags: <defaults>
</compile_context>

<pallas_src>
import jax
import jax.numpy as jnp
from jax.experimental import pallas as pl
from jax.experimental.pallas import tpu as pltpu

_TOP_K = 2
_N_GROUP = 4
_TOPK_GROUP = 2
_ROUTED_SCALING = 2.5
_B = 128
_TB = 256


def _route(x, gate_weight, bias):
    n_experts = gate_weight.shape[0]
    scores = jax.nn.sigmoid(x @ gate_weight.T)
    scores_for_choice = scores + bias[None, :]
    grp = scores_for_choice.reshape(x.shape[0], _N_GROUP, n_experts // _N_GROUP)
    group_scores = jax.lax.top_k(grp, 2)[0].sum(axis=-1)
    _, group_idx = jax.lax.top_k(group_scores, _TOPK_GROUP)
    group_mask = jnp.sum(
        jax.nn.one_hot(group_idx, _N_GROUP, dtype=scores.dtype), axis=1)
    score_mask = jnp.repeat(group_mask, n_experts // _N_GROUP, axis=1)
    masked = jnp.where(score_mask > 0, scores_for_choice,
                       jnp.zeros_like(scores_for_choice))
    _, topk_idx = jax.lax.top_k(masked, _TOP_K)
    topk_w = jnp.take_along_axis(scores, topk_idx, axis=1)
    topk_w = topk_w / (topk_w.sum(axis=-1, keepdims=True) + 1e-20)
    topk_w = topk_w * _ROUTED_SCALING
    return topk_w, topk_idx.astype(jnp.int32)


def _ffn_block(be_ref, valid_ref, xs_ref, wg_ref, wu_ref, wd_ref, out_ref):
    b = pl.program_id(0)

    @pl.when(valid_ref[b] != 0)
    def _():
        xb = xs_ref[...]
        g = jnp.dot(xb, wg_ref[0], preferred_element_type=jnp.float32)
        u = jnp.dot(xb, wu_ref[0], preferred_element_type=jnp.float32)
        h = (g * jax.nn.sigmoid(g)) * u
        out_ref[...] = jnp.dot(h, wd_ref[0], preferred_element_type=jnp.float32)

    @pl.when(valid_ref[b] == 0)
    def _():
        out_ref[...] = jnp.zeros_like(out_ref)


def _shared_combine_block(x_ref, wg_ref, wu_ref, wd_ref, a0_ref, a1_ref,
                          w0_ref, w1_ref, out_ref):
    xb = x_ref[...]
    g = jnp.dot(xb, wg_ref[...], preferred_element_type=jnp.float32)
    u = jnp.dot(xb, wu_ref[...], preferred_element_type=jnp.float32)
    h = (g * jax.nn.sigmoid(g)) * u
    s = jnp.dot(h, wd_ref[...], preferred_element_type=jnp.float32)
    out_ref[...] = s + w0_ref[...] * a0_ref[...] + w1_ref[...] * a1_ref[...]


def kernel(hidden_states, gate_weight, e_score_correction_bias, w_gate, w_up,
           w_down, ws_gate, ws_up, ws_down):
    x = hidden_states
    n_tok, d_model = x.shape
    n_experts, _, d_ff = w_gate.shape
    d_shared = ws_gate.shape[1]

    topk_w, topk_idx = _route(x, gate_weight, e_score_correction_bias)

    n_pairs = n_tok * _TOP_K
    e_flat = topk_idx.reshape(-1)
    one_hot_e = (e_flat[:, None]
                 == jnp.arange(n_experts, dtype=e_flat.dtype)[None, :])
    csum = jnp.cumsum(one_hot_e.astype(jnp.int32), axis=0)
    rank = jnp.take_along_axis(csum, e_flat[:, None].astype(jnp.int32),
                               axis=1)[:, 0] - 1
    counts = csum[-1]
    padded = ((counts + _B - 1) // _B) * _B
    cum_padded = jnp.cumsum(padded)
    pad_start = cum_padded - padded

    pos = (pad_start[e_flat] + rank).astype(jnp.int32)

    n_rows = n_pairs + n_experts * _B
    n_blocks = n_rows // _B

    tok_of_row = jnp.zeros((n_rows,), jnp.int32).at[pos].set(
        (jnp.arange(n_pairs, dtype=jnp.int32) // _TOP_K))
    inv = pos

    block_ids = jnp.arange(n_blocks, dtype=jnp.int32) * _B
    block_e = jnp.clip(
        jnp.searchsorted(cum_padded, block_ids, side='right'),
        0, n_experts - 1).astype(jnp.int32)
    block_valid = (block_ids < cum_padded[-1]).astype(jnp.int32)

    xs = jnp.take(x, tok_of_row, axis=0)

    grid_spec = pltpu.PrefetchScalarGridSpec(
        num_scalar_prefetch=2,
        grid=(n_blocks,),
        in_specs=[
            pl.BlockSpec((_B, d_model), lambda b, be, vl: (b, 0)),
            pl.BlockSpec((1, d_model, d_ff), lambda b, be, vl: (be[b], 0, 0)),
            pl.BlockSpec((1, d_model, d_ff), lambda b, be, vl: (be[b], 0, 0)),
            pl.BlockSpec((1, d_ff, d_model), lambda b, be, vl: (be[b], 0, 0)),
        ],
        out_specs=pl.BlockSpec((_B, d_model), lambda b, be, vl: (b, 0)),
    )
    out_rows = pl.pallas_call(
        _ffn_block,
        grid_spec=grid_spec,
        out_shape=jax.ShapeDtypeStruct((n_rows, d_model), jnp.float32),
    )(block_e, block_valid, xs, w_gate, w_up, w_down)

    a0 = jnp.take(out_rows, inv[0::_TOP_K], axis=0)
    a1 = jnp.take(out_rows, inv[1::_TOP_K], axis=0)
    w0 = topk_w[:, 0:1]
    w1 = topk_w[:, 1:2]

    y = pl.pallas_call(
        _shared_combine_block,
        grid=(n_tok // _TB,),
        in_specs=[
            pl.BlockSpec((_TB, d_model), lambda i: (i, 0)),
            pl.BlockSpec((d_model, d_shared), lambda i: (0, 0)),
            pl.BlockSpec((d_model, d_shared), lambda i: (0, 0)),
            pl.BlockSpec((d_shared, d_model), lambda i: (0, 0)),
            pl.BlockSpec((_TB, d_model), lambda i: (i, 0)),
            pl.BlockSpec((_TB, d_model), lambda i: (i, 0)),
            pl.BlockSpec((_TB, 1), lambda i: (i, 0)),
            pl.BlockSpec((_TB, 1), lambda i: (i, 0)),
        ],
        out_specs=pl.BlockSpec((_TB, d_model), lambda i: (i, 0)),
        out_shape=jax.ShapeDtypeStruct((n_tok, d_model), jnp.float32),
    )(x, ws_gate, ws_up, ws_down, a0, a1, w0, w1)

    return y

# --- scband reference (transcript-rebuilt; emitter-appended) ---
"""Pipeline reference for scband-deepseek-v2-for-causal-lm-53609781788761 (READ-ONLY COPY).

The authoritative reference and input builder live on the scoring server;
editing this copy changes nothing except your own understanding.
"""

import jax, jax.numpy as jnp
import numpy as np

T = 2048
D = 1024
F = 512
E = 16
TOP_K = 2
N_GROUP = 4
TOPK_GROUP = 2
N_SHARED = 2
ROUTED_SCALING = 2.5


def setup_inputs(seed: int = 0) -> dict:
    key = jax.random.key(seed)
    ks = jax.random.split(key, 9)
    x = jax.random.normal(ks[0], (T, D), dtype=jnp.float32)
    gate_weight = jax.random.normal(ks[1], (E, D), dtype=jnp.float32) * 0.02
    e_score_correction_bias = jax.random.normal(ks[2], (E,), dtype=jnp.float32) * 0.01
    w_gate = jax.random.normal(ks[3], (E, D, F), dtype=jnp.float32) * (1.0 / np.sqrt(D))
    w_up = jax.random.normal(ks[4], (E, D, F), dtype=jnp.float32) * (1.0 / np.sqrt(D))
    w_down = jax.random.normal(ks[5], (E, F, D), dtype=jnp.float32) * (1.0 / np.sqrt(F))
    ws_gate = jax.random.normal(ks[6], (D, N_SHARED * F), dtype=jnp.float32) * (1.0 / np.sqrt(D))
    ws_up = jax.random.normal(ks[7], (D, N_SHARED * F), dtype=jnp.float32) * (1.0 / np.sqrt(D))
    ws_down = jax.random.normal(ks[8], (N_SHARED * F, D), dtype=jnp.float32) * (1.0 / np.sqrt(N_SHARED * F))
    return {
        'hidden_states': x,
        'gate_weight': gate_weight,
        'e_score_correction_bias': e_score_correction_bias,
        'w_gate': w_gate,
        'w_up': w_up,
        'w_down': w_down,
        'ws_gate': ws_gate,
        'ws_up': ws_up,
        'ws_down': ws_down,
    }


def _grouped_topk(scores, bias):
    # DeepseekV2/V3 'noaux_tc' grouped top-k routing.
    # scores: sigmoid(router_logits) [T, E]; bias: correction bias [E]
    scores_for_choice = scores + bias[None, :]
    grp = scores_for_choice.reshape(scores.shape[0], N_GROUP, E // N_GROUP)
    # group score = sum of top-2 expert scores within the group
    group_scores = jax.lax.top_k(grp, 2)[0].sum(axis=-1)  # [T, N_GROUP]
    _, group_idx = jax.lax.top_k(group_scores, TOPK_GROUP)  # [T, TOPK_GROUP]
    group_mask = jnp.sum(jax.nn.one_hot(group_idx, N_GROUP, dtype=scores.dtype), axis=1)  # [T, N_GROUP]
    score_mask = jnp.repeat(group_mask, E // N_GROUP, axis=1)  # [T, E]
    masked_scores = jnp.where(score_mask > 0, scores_for_choice, jnp.zeros_like(scores_for_choice))
    _, topk_idx = jax.lax.top_k(masked_scores, TOP_K)  # [T, TOP_K]
    topk_weights = jnp.take_along_axis(scores, topk_idx, axis=1)  # weights from original scores
    # norm_topk_prob = True
    topk_weights = topk_weights / (topk_weights.sum(axis=-1, keepdims=True) + 1e-20)
    topk_weights = topk_weights * ROUTED_SCALING
    return topk_weights, topk_idx


def reference(hidden_states, gate_weight, e_score_correction_bias, w_gate, w_up, w_down, ws_gate, ws_up, ws_down):
    x = hidden_states
    # MoEGate: router logits
    router_logits = x @ gate_weight.T  # [T, E]
    scores = jax.nn.sigmoid(router_logits)
    topk_weights, topk_idx = _grouped_topk(scores, e_score_correction_bias)

    # Routed experts (exact dense-dispatch equivalent of EP MoE)
    y = jnp.zeros_like(x)
    for e in range(E):
        w_e = jnp.sum(topk_weights * (topk_idx == e).astype(topk_weights.dtype), axis=-1)  # [T]
        h = jax.nn.silu(x @ w_gate[e]) * (x @ w_up[e])  # [T, F]
        y = y + w_e[:, None] * (h @ w_down[e])

    # Shared experts (DeepseekV2MLP with intermediate = n_shared * moe_intermediate_size)
    shared = (jax.nn.silu(x @ ws_gate) * (x @ ws_up)) @ ws_down
    return y + shared

if __name__ == "__main__":
    import jax
    _d = setup_inputs()
    print(jax.jit(kernel)(*tuple(_d.values())))

</pallas_src>

<mosaic_0001>
module attributes {stable_mosaic.version = 14 : i64} {
  func.func @_ffn_block(%arg0: i32, %arg1: memref<48xi32, #tpu.memory_space<smem>>, %arg2: memref<48xi32, #tpu.memory_space<smem>>, %arg3: memref<128x1024xf32, #tpu.memory_space<vmem>>, %arg4: memref<1x1024x512xf32, #tpu.memory_space<vmem>>, %arg5: memref<1x1024x512xf32, #tpu.memory_space<vmem>>, %arg6: memref<1x512x1024xf32, #tpu.memory_space<vmem>>, %arg7: memref<128x1024xf32, #tpu.memory_space<vmem>>) attributes {dimension_semantics = [#tpu.dimension_semantics<arbitrary>], iteration_bounds = array<i64: 48>, scalar_prefetch = 2 : i64, scratch_operands = 0 : i64, tpu.core_type = #tpu.core_type<tc>, window_params = [{transform_indices = @transform_0, window_bounds = array<i64: 128, 1024>}, {transform_indices = @transform_1, window_bounds = array<i64: 1, 1024, 512>}, {transform_indices = @transform_2, window_bounds = array<i64: 1, 1024, 512>}, {transform_indices = @transform_3, window_bounds = array<i64: 1, 512, 1024>}, {transform_indices = @transform_4, window_bounds = array<i64: 128, 1024>}]} {
    %get3A = arith.index_cast %arg0 : i32 to index
    %get3A_0 = memref.load %arg2[%get3A] : memref<48xi32, #tpu.memory_space<smem>>
    %ne3A = arith.constant 0 : i32
    %ne3A_1 = arith.cmpi ne, %get3A_0, %ne3A : i32
    %convert_element_type3A = arith.extui %ne3A_1 : i1 to i32
    %cond3A = arith.constant 0 : i32
    %cond3A_2 = arith.cmpi ne, %convert_element_type3A, %cond3A : i32
    scf.if %cond3A_2 {
      %get3A_9 = arith.constant 0 : index
      %get3A_10 = arith.constant 0 : index
      %get3A_11 = vector.load %arg3[%get3A_9, %get3A_10] : memref<128x1024xf32, #tpu.memory_space<vmem>>, vector<128x1024xf32>
      %get3A_12 = arith.constant 0 : index
      %get3A_13 = arith.constant 0 : index
      %get3A_14 = arith.constant 0 : index
      %get3A_15 = vector.load %arg4[%get3A_12, %get3A_13, %get3A_14] : memref<1x1024x512xf32, #tpu.memory_space<vmem>>, vector<1x1024x512xf32>
      %get3A_16 = vector.shape_cast %get3A_15 : vector<1x1024x512xf32> to vector<1024x512xf32>
      %dot_general3A = arith.constant dense<0.000000e+00> : vector<128x512xf32>
      %dot_general3A_17 = tpu.matmul %get3A_11, %get3A_16, %dot_general3A {dimension_numbers = #tpu.dot_dimension_numbers<[1], [0], [0], [1], [0, 0, 1, 1], [], []>, transpose_lhs_hint = false} : vector<128x1024xf32>, vector<1024x512xf32>, vector<128x512xf32> -> vector<128x512xf32>
      %get3A_18 = arith.constant 0 : index
      %get3A_19 = arith.constant 0 : index
      %get3A_20 = arith.constant 0 : index
      %get3A_21 = vector.load %arg5[%get3A_18, %get3A_19, %get3A_20] : memref<1x1024x512xf32, #tpu.memory_space<vmem>>, vector<1x1024x512xf32>
      %get3A_22 = vector.shape_cast %get3A_21 : vector<1x1024x512xf32> to vector<1024x512xf32>
      %dot_general3A_23 = arith.constant dense<0.000000e+00> : vector<128x512xf32>
      %dot_general3A_24 = tpu.matmul %get3A_11, %get3A_22, %dot_general3A_23 {dimension_numbers = #tpu.dot_dimension_numbers<[1], [0], [0], [1], [0, 0, 1, 1], [], []>, transpose_lhs_hint = false} : vector<128x1024xf32>, vector<1024x512xf32>, vector<128x512xf32> -> vector<128x512xf32>
      %logistic3A = arith.negf %dot_general3A_17 : vector<128x512xf32>
      %logistic3A_25 = math.exp %logistic3A : vector<128x512xf32>
      %logistic3A_26 = arith.constant 1.000000e+00 : f32
      %logistic3A_27 = vector.broadcast %logistic3A_26 : f32 to vector<128x512xf32>
      %logistic3A_28 = arith.addf %logistic3A_27, %logistic3A_25 : vector<128x512xf32>
      %logistic3A_29 = arith.divf %logistic3A_27, %logistic3A_28 : vector<128x512xf32>
      %mul3A = arith.mulf %dot_general3A_17, %logistic3A_29 : vector<128x512xf32>
      %mul3A_30 = arith.mulf %mul3A, %dot_general3A_24 : vector<128x512xf32>
      %get3A_31 = arith.constant 0 : index
      %get3A_32 = arith.constant 0 : index
      %get3A_33 = arith.constant 0 : index
      %get3A_34 = vector.load %arg6[%get3A_31, %get3A_32, %get3A_33] : memref<1x512x1024xf32, #tpu.memory_space<vmem>>, vector<1x512x1024xf32>
      %get3A_35 = vector.shape_cast %get3A_34 : vector<1x512x1024xf32> to vector<512x1024xf32>
      %dot_general3A_36 = arith.constant dense<0.000000e+00> : vector<128x1024xf32>
      %dot_general3A_37 = tpu.matmul %mul3A_30, %get3A_35, %dot_general3A_36 {dimension_numbers = #tpu.dot_dimension_numbers<[1], [0], [0], [1], [0, 0, 1, 1], [], []>, transpose_lhs_hint = false} : vector<128x512xf32>, vector<512x1024xf32>, vector<128x1024xf32> -> vector<128x1024xf32>
      %swap3A = arith.constant 0 : index
      %swap3A_38 = arith.constant 0 : index
      %swap3A_39 = vector.load %arg7[%swap3A, %swap3A_38] : memref<128x1024xf32, #tpu.memory_space<vmem>>, vector<128x1024xf32>
      tpu.vector_store %arg7[%swap3A, %swap3A_38], %dot_general3A_37 {strides = array<i32>} : memref<128x1024xf32, #tpu.memory_space<vmem>>, vector<128x1024xf32>,
    } else {
    }
    %get3A_3 = arith.index_cast %arg0 : i32 to index
    %get3A_4 = memref.load %arg2[%get3A_3] : memref<48xi32, #tpu.memory_space<smem>>
    %eq3A = arith.constant 0 : i32
    %eq3A_5 = arith.cmpi eq, %get3A_4, %eq3A : i32
    %convert_element_type3A_6 = arith.extui %eq3A_5 : i1 to i32
    %cond3A_7 = arith.constant 0 : i32
    %cond3A_8 = arith.cmpi ne, %convert_element_type3A_6, %cond3A_7 : i32
    scf.if %cond3A_8 {
      %broadcast_in_dim3A = arith.constant 0.000000e+00 : f32
      %broadcast_in_dim3A_9 = vector.broadcast %broadcast_in_dim3A : f32 to vector<128x1024xf32>
      %swap3A = arith.constant 0 : index
      %swap3A_10 = arith.constant 0 : index
      %swap3A_11 = vector.load %arg7[%swap3A, %swap3A_10] : memref<128x1024xf32, #tpu.memory_space<vmem>>, vector<128x1024xf32>
      tpu.vector_store %arg7[%swap3A, %swap3A_10], %broadcast_in_dim3A_9 {strides = array<i32>} : memref<128x1024xf32, #tpu.memory_space<vmem>>, vector<128x1024xf32>,
    } else {
    }
    return
  }
  func.func @transform_0(%arg0: i32, %arg1: memref<48xi32, #tpu.memory_space<smem>>, %arg2: memref<48xi32, #tpu.memory_space<smem>>) -> (i32, i32) {
    %c0_i32 = arith.constant 0 : i32
    %c0_i32_0 = arith.constant 0 : i32
    return %arg0, %c0_i32 : i32, i32
  }
  func.func @transform_1(%arg0: i32, %arg1: memref<48xi32, #tpu.memory_space<smem>>, %arg2: memref<48xi32, #tpu.memory_space<smem>>) -> (i32, i32, i32) {
    %get3A = arith.index_cast %arg0 : i32 to index
    %get3A_0 = memref.load %arg1[%get3A] : memref<48xi32, #tpu.memory_space<smem>>
    %c0_i32 = arith.constant 0 : i32
    %c0_i32_1 = arith.constant 0 : i32
    %c0_i32_2 = arith.constant 0 : i32
    return %get3A_0, %c0_i32, %c0_i32_1 : i32, i32, i32
  }
  func.func @transform_2(%arg0: i32, %arg1: memref<48xi32, #tpu.memory_space<smem>>, %arg2: memref<48xi32, #tpu.memory_space<smem>>) -> (i32, i32, i32) {
    %get3A = arith.index_cast %arg0 : i32 to index
    %get3A_0 = memref.load %arg1[%get3A] : memref<48xi32, #tpu.memory_space<smem>>
    %c0_i32 = arith.constant 0 : i32
    %c0_i32_1 = arith.constant 0 : i32
    %c0_i32_2 = arith.constant 0 : i32
    return %get3A_0, %c0_i32, %c0_i32_1 : i32, i32, i32
  }
  func.func @transform_3(%arg0: i32, %arg1: memref<48xi32, #tpu.memory_space<smem>>, %arg2: memref<48xi32, #tpu.memory_space<smem>>) -> (i32, i32, i32) {
    %get3A = arith.index_cast %arg0 : i32 to index
    %get3A_0 = memref.load %arg1[%get3A] : memref<48xi32, #tpu.memory_space<smem>>
    %c0_i32 = arith.constant 0 : i32
    %c0_i32_1 = arith.constant 0 : i32
    %c0_i32_2 = arith.constant 0 : i32
    return %get3A_0, %c0_i32, %c0_i32_1 : i32, i32, i32
  }
  func.func @transform_4(%arg0: i32, %arg1: memref<48xi32, #tpu.memory_space<smem>>, %arg2: memref<48xi32, #tpu.memory_space<smem>>) -> (i32, i32) {
    %c0_i32 = arith.constant 0 : i32
    %c0_i32_0 = arith.constant 0 : i32
    return %arg0, %c0_i32 : i32, i32
  }
}

module attributes {stable_mosaic.version = 14 : i64} {
  func.func @_shared_combine_block(%arg0: i32, %arg1: memref<256x1024xf32, #tpu.memory_space<vmem>>, %arg2: memref<1024x1024xf32, #tpu.memory_space<vmem>>, %arg3: memref<1024x1024xf32, #tpu.memory_space<vmem>>, %arg4: memref<1024x1024xf32, #tpu.memory_space<vmem>>, %arg5: memref<256x1024xf32, #tpu.memory_space<vmem>>, %arg6: memref<256x1024xf32, #tpu.memory_space<vmem>>, %arg7: memref<256x1xf32, #tpu.memory_space<vmem>>, %arg8: memref<256x1xf32, #tpu.memory_space<vmem>>, %arg9: memref<256x1024xf32, #tpu.memory_space<vmem>>) attributes {dimension_semantics = [#tpu.dimension_semantics<arbitrary>], iteration_bounds = array<i64: 8>, scalar_prefetch = 0 : i64, scratch_operands = 0 : i64, tpu.core_type = #tpu.core_type<tc>, window_params = [{transform_indices = @transform_0, window_bounds = array<i64: 256, 1024>}, {pipeline_mode = #tpu.pipeline_mode<synchronous>, transform_indices = @transform_1, window_bounds = array<i64: 1024, 1024>}, {pipeline_mode = #tpu.pipeline_mode<synchronous>, transform_indices = @transform_2, window_bounds = array<i64: 1024, 1024>}, {pipeline_mode = #tpu.pipeline_mode<synchronous>, transform_indices = @transform_3, window_bounds = array<i64: 1024, 1024>}, {transform_indices = @transform_4, window_bounds = array<i64: 256, 1024>}, {transform_indices = @transform_5, window_bounds = array<i64: 256, 1024>}, {transform_indices = @transform_6, window_bounds = array<i64: 256, 1>}, {transform_indices = @transform_7, window_bounds = array<i64: 256, 1>}, {transform_indices = @transform_8, window_bounds = array<i64: 256, 1024>}]} {
    %get3A = arith.constant 0 : index
    %get3A_0 = arith.constant 0 : index
    %get3A_1 = vector.load %arg1[%get3A, %get3A_0] : memref<256x1024xf32, #tpu.memory_space<vmem>>, vector<256x1024xf32>
    %get3A_2 = arith.constant 0 : index
    %get3A_3 = arith.constant 0 : index
    %get3A_4 = vector.load %arg2[%get3A_2, %get3A_3] : memref<1024x1024xf32, #tpu.memory_space<vmem>>, vector<1024x1024xf32>
    %dot_general3A = arith.constant dense<0.000000e+00> : vector<256x1024xf32>
    %dot_general3A_5 = tpu.matmul %get3A_1, %get3A_4, %dot_general3A {dimension_numbers = #tpu.dot_dimension_numbers<[1], [0], [0], [1], [0, 0, 1, 1], [], []>, transpose_lhs_hint = false} : vector<256x1024xf32>, vector<1024x1024xf32>, vector<256x1024xf32> -> vector<256x1024xf32>
    %get3A_6 = arith.constant 0 : index
    %get3A_7 = arith.constant 0 : index
    %get3A_8 = vector.load %arg3[%get3A_6, %get3A_7] : memref<1024x1024xf32, #tpu.memory_space<vmem>>, vector<1024x1024xf32>
    %dot_general3A_9 = arith.constant dense<0.000000e+00> : vector<256x1024xf32>
    %dot_general3A_10 = tpu.matmul %get3A_1, %get3A_8, %dot_general3A_9 {dimension_numbers = #tpu.dot_dimension_numbers<[1], [0], [0], [1], [0, 0, 1, 1], [], []>, transpose_lhs_hint = false} : vector<256x1024xf32>, vector<1024x1024xf32>, vector<256x1024xf32> -> vector<256x1024xf32>
    %logistic3A = arith.negf %dot_general3A_5 : vector<256x1024xf32>
    %logistic3A_11 = math.exp %logistic3A : vector<256x1024xf32>
    %logistic3A_12 = arith.constant 1.000000e+00 : f32
    %logistic3A_13 = vector.broadcast %logistic3A_12 : f32 to vector<256x1024xf32>
    %logistic3A_14 = arith.addf %logistic3A_13, %logistic3A_11 : vector<256x1024xf32>
    %logistic3A_15 = arith.divf %logistic3A_13, %logistic3A_14 : vector<256x1024xf32>
    %mul3A = arith.mulf %dot_general3A_5, %logistic3A_15 : vector<256x1024xf32>
    %mul3A_16 = arith.mulf %mul3A, %dot_general3A_10 : vector<256x1024xf32>
    %get3A_17 = arith.constant 0 : index
    %get3A_18 = arith.constant 0 : index
    %get3A_19 = vector.load %arg4[%get3A_17, %get3A_18] : memref<1024x1024xf32, #tpu.memory_space<vmem>>, vector<1024x1024xf32>
    %dot_general3A_20 = arith.constant dense<0.000000e+00> : vector<256x1024xf32>
    %dot_general3A_21 = tpu.matmul %mul3A_16, %get3A_19, %dot_general3A_20 {dimension_numbers = #tpu.dot_dimension_numbers<[1], [0], [0], [1], [0, 0, 1, 1], [], []>, transpose_lhs_hint = false} : vector<256x1024xf32>, vector<1024x1024xf32>, vector<256x1024xf32> -> vector<256x1024xf32>
    %get3A_22 = arith.constant 0 : index
    %get3A_23 = arith.constant 0 : index
    %get3A_24 = vector.load %arg7[%get3A_22, %get3A_23] : memref<256x1xf32, #tpu.memory_space<vmem>>, vector<256x1xf32>
    %get3A_25 = arith.constant 0 : index
    %get3A_26 = arith.constant 0 : index
    %get3A_27 = vector.load %arg5[%get3A_25, %get3A_26] : memref<256x1024xf32, #tpu.memory_space<vmem>>, vector<256x1024xf32>
    %mul3A_28 = vector.broadcast %get3A_24 : vector<256x1xf32> to vector<256x1024xf32>
    %mul3A_29 = arith.mulf %mul3A_28, %get3A_27 : vector<256x1024xf32>
    %add3A = arith.addf %dot_general3A_21, %mul3A_29 : vector<256x1024xf32>
    %get3A_30 = arith.constant 0 : index
    %get3A_31 = arith.constant 0 : index
    %get3A_32 = vector.load %arg8[%get3A_30, %get3A_31] : memref<256x1xf32, #tpu.memory_space<vmem>>, vector<256x1xf32>
    %get3A_33 = arith.constant 0 : index
    %get3A_34 = arith.constant 0 : index
    %get3A_35 = vector.load %arg6[%get3A_33, %get3A_34] : memref<256x1024xf32, #tpu.memory_space<vmem>>, vector<256x1024xf32>
    %mul3A_36 = vector.broadcast %get3A_32 : vector<256x1xf32> to vector<256x1024xf32>
    %mul3A_37 = arith.mulf %mul3A_36, %get3A_35 : vector<256x1024xf32>
    %add3A_38 = arith.addf %add3A, %mul3A_37 : vector<256x1024xf32>
    %swap3A = arith.constant 0 : index
    %swap3A_39 = arith.constant 0 : index
    %swap3A_40 = vector.load %arg9[%swap3A, %swap3A_39] : memref<256x1024xf32, #tpu.memory_space<vmem>>, vector<256x1024xf32>
    tpu.vector_store %arg9[%swap3A, %swap3A_39], %add3A_38 {strides = array<i32>} : memref<256x1024xf32, #tpu.memory_space<vmem>>, vector<256x1024xf32>,
    return
  }
  func.func @transform_0(%arg0: i32) -> (i32, i32) {
    %c0_i32 = arith.constant 0 : i32
    %c0_i32_0 = arith.constant 0 : i32
    return %arg0, %c0_i32 : i32, i32
  }
  func.func @transform_1(%arg0: i32) -> (i32, i32) {
    %c0_i32 = arith.constant 0 : i32
    %c0_i32_0 = arith.constant 0 : i32
    %c0_i32_1 = arith.constant 0 : i32
    return %c0_i32, %c0_i32_0 : i32, i32
  }
  func.func @transform_2(%arg0: i32) -> (i32, i32) {
    %c0_i32 = arith.constant 0 : i32
    %c0_i32_0 = arith.constant 0 : i32
    %c0_i32_1 = arith.constant 0 : i32
    return %c0_i32, %c0_i32_0 : i32, i32
  }
  func.func @transform_3(%arg0: i32) -> (i32, i32) {
    %c0_i32 = arith.constant 0 : i32
    %c0_i32_0 = arith.constant 0 : i32
    %c0_i32_1 = arith.constant 0 : i32
    return %c0_i32, %c0_i32_0 : i32, i32
  }
  func.func @transform_4(%arg0: i32) -> (i32, i32) {
    %c0_i32 = arith.constant 0 : i32
    %c0_i32_0 = arith.constant 0 : i32
    return %arg0, %c0_i32 : i32, i32
  }
  func.func @transform_5(%arg0: i32) -> (i32, i32) {
    %c0_i32 = arith.constant 0 : i32
    %c0_i32_0 = arith.constant 0 : i32
    return %arg0, %c0_i32 : i32, i32
  }
  func.func @transform_6(%arg0: i32) -> (i32, i32) {
    %c0_i32 = arith.constant 0 : i32
    %c0_i32_0 = arith.constant 0 : i32
    return %arg0, %c0_i32 : i32, i32
  }
  func.func @transform_7(%arg0: i32) -> (i32, i32) {
    %c0_i32 = arith.constant 0 : i32
    %c0_i32_0 = arith.constant 0 : i32
    return %arg0, %c0_i32 : i32, i32
  }
  func.func @transform_8(%arg0: i32) -> (i32, i32) {
    %c0_i32 = arith.constant 0 : i32
    %c0_i32_0 = arith.constant 0 : i32
    return %arg0, %c0_i32 : i32, i32
  }
}

</mosaic_0001>

<sc_bundles>
// kernel: gather_offload_async_start.1
scs
__scs_entry_jumppad:
0x0: {  	(pc) =	sbr.rel $0x88, $3  }
0x1: {  	(tag) =	ssettag $0x0;
	lr =	simm.s32 $0x1  }
0x2: {  	[smem:$0x3F98] =	sst lr;
	_ =	strace $0xD0000000  }
0x3: {  	_ = 	snop  }
0x4: {  	_ = 	snop  }
0x5: {  	_ = 	snop  }
0x6: {  	_ = 	snop  }
0x7: {  	_ = 	snop  }
__scs_overlays_trampoline_lowered:
0x8: {  	[smem:$0x3FA7] =	sst s0  }
0x9: {  	[smem:$0x3FA8] =	sst s1  }
0xa: {  	[smem:$0x3FA9] =	sst s2  }
0xb: {  	[smem:$0x3FAA] =	sst s3  }
0xc: {  	[smem:$0x3FAB] =	sst s4  }
0xd: {  	[smem:$0x3FAC] =	sst s5  }
0xe: {  	[smem:$0x3FAD] =	sst s6  }
0xf: {  	[smem:$0x3FAE] =	sst s7  }
0x10: {  	[smem:$0x3FAF] =	sst s8  }
0x11: {  	[smem:$0x3FB0] =	sst s9;
	s0 =	simm.s32 @!p0 $0x0  }
0x12: {  	s1 =	sld [smem:$0x3F96];
	s0 =	simm.s32 @p0 $0x1  }
0x13: {  	[smem:$0x3FB1] =	sst s0;
	s0 =	simm.s32 @!p1 $0x0  }
0x14: {  	s2 =	sld [smem:$0x3F95];
	s0 =	simm.s32 @p1 $0x1  }
0x15: {  	[smem:$0x3FB2] =	sst s0;
	s0 =	simm.s32 @!p2 $0x0  }
0x16: {  	s3 =	sld [smem:$0x3FDB];
	s0 =	simm.s32 @p2 $0x1  }
0x17: {  	s4 =	simm.s32 $0x1BF5;
	[smem:$0x3FB4] =	sst s0  }
0x18: {  	s0 =	sld [smem:$0x3F97];
	_ =	swait.ge [sflag:s4], $0x0  }
0x19: {  	s7 =	sld [smem:$0x3F98]  }
0x1a: {  	s8 =	sadd.s32 $0xFFFFE003, lr  }
0x1b: {  	s9 =	sadd.s32 $0xFFFFFEF7, lr;
	s5 =	simm.s32 $0xFFFFFFFF;
	p2 =	slt.u32 s8, $0xFFFFF086  }
0x1c: {  	p1 =	slt.u32 s9, $0xF7A;
	s5 =	simm.s32 @!p2 $0x0  }
0x1d: {  	s5 =	simm.s32 @p1 $0x1;
	p0 =	seq.s32 s7, s2  }
0x1e: {  	s7 =	smul.u32 @!p0 $0xF7A, s2;
	p2 =	seq.s32 @!p0 s5, $0x0  }
0x1f: {  	s9 =	smul.u32 $0xF7A, s1;
	s8 =	simm.s32 @!p0 $0x1BF5;
	p2 =	por !p2, p0  }
0x20: {  	[sflag:s8] =	ssyncset.s32 @!p0 $0xFFFFF086;
	s6 =	sadd.s32 @!p0 s3, s7;
	s7 =	simm.s32 @!p0 $0x108  }
0x21: {  	s3 =	sadd.s32 s3, s9;
	s6 =	sadd.s32 @!p0 $0x88, s6;
	s7 =	simm.s32 @p2 $0x1082  }
0x22: {  	[simem:s7], [sflag:s8] =	dma.local @!p0 [hbm:s6], $0xF7A  }
0x23: {  	s9 =	sor.u32 $0xD0000000, s2;
	s6 =	simm.s32 $0x108;
	_ =	swait.ge @!p0 [sflag:s8], $0x0  }
0x24: {  	s3 =	sadd.s32 $0x88, s3;
	s6 =	simm.s32 @!p1 $0x1082;
	[sflag:s4] =	ssyncset.s32 $0xFFFFF086  }
0x25: {  	[simem:s6], [sflag:s4] =	dma.local [hbm:s3], $0xF7A  }
0x26: {  	[smem:$0x3F98] =	sst s1;
	(tag) =	ssettag s2;
	_ =	strace s9  }
0x27: {  	s1 =	sld [smem:$0x3FA8]  }
0x28: {  	s2 =	sld [smem:$0x3FA9]  }
0x29: {  	s4 =	sld [smem:$0x3FAB]  }
0x2a: {  	p0 =	seq.s32 s5, $0x0;
	s5 =	sld [smem:$0x3FAC]  }
0x2b: {  	s6 =	sld [smem:$0x3FAD]  }
0x2c: {  	s7 =	sld [smem:$0x3FAE]  }
0x2d: {  	s3 =	simm.s32 $0x108;
	s8 =	sld [smem:$0x3FAF]  }
0x2e: {  	s3 =	simm.s32 @!p0 $0x1082;
	s9 =	sld [smem:$0x3FB0]  }
0x2f: {  	lr =	sadd.s32 s0, s3;
	s0 =	sld [smem:$0x3FA7]  }
0x30: {  	s3 =	sld [smem:$0x3FAA]  }
0x31: {  	[smem:$0x3FB3] =	sst s10  }
0x32: {  	s10 =	sld [smem:$0x3FB1];
	_ =	sdelay $0x3  }
0x33: {  	p0 =	seq.s32 s10, $0x1;
	s10 =	sld [smem:$0x3FB3];
	_ =	sdelay $0x3  }
0x34: {  	[smem:$0x3FB3] =	sst s10  }
0x35: {  	s10 =	sld [smem:$0x3FB2];
	_ =	sdelay $0x3  }
0x36: {  	p1 =	seq.s32 s10, $0x1;
	s10 =	sld [smem:$0x3FB3];
	_ =	sdelay $0x3  }
0x37: {  	[smem:$0x3FB3] =	sst s10  }
0x38: {  	s10 =	sld [smem:$0x3FB4]  }
0x39: {  	_ = 	snop;
	(pc) =	sbr.ind lr, $3  }
0x3a: {  	_ = 	snop  }
0x3b: {  	_ = 	snop  }
0x3c: {  	p2 =	seq.s32 s10, $0x1;
	s10 =	sld [smem:$0x3FB3]  }
0x3d: {  	_ =	shalt  }
0x3e: {  	_ =	shalt  }
0x3f: {  	_ =	shalt  }
0x40: {  	_ =	shalt  }
0x41: {  	_ =	shalt  }
0x42: {  	_ =	shalt  }
0x43: {  	_ =	shalt  }
0x44: {  	_ =	shalt  }
0x45: {  	_ =	shalt  }
0x46: {  	_ =	shalt  }
0x47: {  	_ =	shalt  }
0x48: {  	_ =	shalt  }
0x49: {  	_ =	shalt  }
0x4a: {  	_ =	shalt  }
0x4b: {  	_ =	shalt  }
0x4c: {  	_ =	shalt  }
0x4d: {  	_ =	shalt  }
0x4e: {  	_ =	shalt  }
0x4f: {  	_ =	shalt  }
0x50: {  	_ =	shalt  }
0x51: {  	_ =	shalt  }
0x52: {  	_ =	shalt  }
0x53: {  	_ =	shalt  }
0x54: {  	_ =	shalt  }
0x55: {  	_ =	shalt  }
0x56: {  	_ =	shalt  }
0x57: {  	_ =	shalt  }
0x58: {  	_ =	shalt  }
0x59: {  	_ =	shalt  }
0x5a: {  	_ =	shalt  }
0x5b: {  	_ =	shalt  }
0x5c: {  	_ =	shalt  }
0x5d: {  	_ =	shalt  }
0x5e: {  	_ =	shalt  }
0x5f: {  	_ =	shalt  }
0x60: {  	_ =	shalt  }
0x61: {  	_ =	shalt  }
0x62: {  	_ =	shalt  }
0x63: {  	_ =	shalt  }
0x64: {  	_ =	shalt  }
0x65: {  	_ =	shalt  }
0x66: {  	_ =	shalt  }
0x67: {  	_ =	shalt  }
0x68: {  	_ =	shalt  }
0x69: {  	_ =	shalt  }
0x6a: {  	_ =	shalt  }
0x6b: {  	_ =	shalt  }
0x6c: {  	_ =	shalt  }
0x6d: {  	_ =	shalt  }
0x6e: {  	_ =	shalt  }
0x6f: {  	_ =	shalt  }
0x70: {  	_ =	shalt  }
0x71: {  	_ =	shalt  }
0x72: {  	_ =	shalt  }
0x73: {  	_ =	shalt  }
0x74: {  	_ =	shalt  }
0x75: {  	_ =	shalt  }
0x76: {  	_ =	shalt  }
0x77: {  	_ =	shalt  }
0x78: {  	_ =	shalt  }
0x79: {  	_ =	shalt  }
0x7a: {  	_ =	shalt  }
0x7b: {  	_ =	shalt  }
0x7c: {  	_ =	shalt  }
0x7d: {  	_ =	shalt  }
0x7e: {  	_ =	shalt  }
0x7f: {  	_ =	shalt  }
0x80: {  	_ =	shalt  }
0x81: {  	_ =	shalt  }
0x82: {  	_ =	shalt  }
0x83: {  	_ =	shalt  }
0x84: {  	_ =	shalt  }
0x85: {  	_ =	shalt  }
0x86: {  	_ =	shalt  }
0x87: {  	_ =	shalt  }
.Lfunc_end0:
.L_simem_size_0:
called_computation.1_lowered:
.L_overlay_start_0:
0x88: {  	s2 =	sld [smem:$0x3FD9]  }
0x89: {  	s3 =	sld [smem:$0x3FFE];
	_ =	sdelay $0x1  }
0x8a: {  	s1 =	srdreg.scid  }
0x8b: {  	s0 =	sand.u32 $0x1, s1  }
0x8c: {  	s16 =	sshll.u32 s0, $0xA;
	s2 =	sadd.s32 s3, s2  }
0x8d: {  	s2 =	sadd.s32 s2, s16  }
0x8e: {  	[smem:$0x3FBF] =	sst s2  }
0x8f: {  	_ = 	snop  }
0x90: {  	(tm) =	ssettm $0x1  }
0x91: {  	s17 =	sld [smem:$0x3FFB];
	_ =	sdelay $0x3  }
0x92: {  	_ =	strace s17  }
0x93: {  	s2 =	sld [smem:$0x3FFC];
	_ =	sdelay $0x3  }
0x94: {  	_ =	strace s2  }
0x95: {  	s2 =	sld [smem:$0x3FFD];
	_ =	sdelay $0x3  }
0x96: {  	_ =	strace s2  }
0x97: {  	_ =	strace $0x8FFFFFFF  }
0x98: {  	s18 =	sld [smem:$0x3FDB];
	_ =	sdelay $0x1  }
0x99: {  	s19 =	simm.s32 $_scs_section_size  }
0x9a: {  	s4 =	simm.s32 $_size__tile_overlayer_lowered;
	s5 =	simm.s32 $_tile_overlayer_lowered  }
0x9b: {  	s22 =	simm.s32 $0x1BFF;
	s21 =	sshll.u32 s5, $0x1;
	s2 =	sadd.s32 s19, s18  }
0x9c: {  	s6 =	simm.s32 $0x0;
	s20 =	sshll.u32 s4, $0x1;
	s4 =	sadd.s32 s21, s2  }
0x9d: {  	[timem:s6], [sflag:s22] =	dma.local [hbm:s4], s20  }
0x9e: {  	_ =	swait.ge [sflag:s22], s20  }
0x9f: {  	s3 =	ssub.s32 $0x0, s20;
	[sflag:s22] =	ssyncset.done $0x0  }
0xa0: {  	[sflag:s22] =	ssyncadd.s32 s3;
	_ =	sdelay $0x1  }
0xa1: {  	s23 =	simm.s32 $0x1B8B  }
0xa2: {  	_ =	swait.ge [sflag:s23], $0x1  }
0xa3: {  	[sflag:s23] =	ssyncset.done $0x0  }
0xa4: {  	s25 =	simm.s32 $0x1B8E;
	s24 =	sld [smem:$0x3FFE];
	[sflag:s23] =	ssyncadd.s32 $0xFFFFFFFF  }
0xa5: {  	s26 =	simm.s32 $execute0_lowered;
	[smem:$0x3FD2] =	sst s25  }
0xa6: {  	s4 =	sshll.u32 s26, $0x1;
	_ =	strace $0x80000049;
	[dreg:$0x1] =	wrdreg $0xFFFFFFFF  }
0xa7: {  	s28 =	simm.s32 $_size_execute0_lowered;
	s2 =	sadd.s32 s2, s4;
	[dreg:$0x0] =	wrdreg $0x0  }
0xa8: {  	s4 =	sshll.u32 s28, $0x1;
	[dreg:$0x2] =	wrdreg s2  }
0xa9: {  	[dreg:$0x3] =	wrdreg s4  }
0xaa: {  	[dreg:$0x4] =	wrdreg $0xC0  }
0xab: {  	_ =	task [dreg:s6], $0x5FFFF  }
0xac: {  	[dreg:$0x1] =	wrdreg $0xFFFFFFFF  }
0xad: {  	[dreg:$0x0] =	wrdreg $0x60  }
0xae: {  	[dreg:$0x2] =	wrdreg s24  }
0xaf: {  	[dreg:$0x3] =	wrdreg $0xA  }
0xb0: {  	_ =	task.clear_ibuf [dreg:s6], $0x4FFFF;
	_ =	strace $0x90000049  }
0xb1: {  	s29 =	simm.s32 $0xA;
	_ =	strace $0x8000004B  }
0xb2: {  	_ =	swait.ge [sflag:s29], $0x1  }
0xb3: {  	[sflag:s29] =	ssyncadd.s32 $0xFFFFFFFF  }
0xb4: {  	_ =	strace $0x9000004B  }
0xb5: {  	_ =	sfence  }
0xb6: {  	s30 =	sld [smem:$0x0];
	_ =	sdelay $0x2  }
0xb7: {  	s31 =	sshll.u32 s1, $0xD;
	s1 =	sshrl.u32 s1, $0x2  }
0xb8: {  	s3 =	sand.u32 $0x4000, s31;
	s1 =	sadd.s32 s1, s30  }
0xb9: {  	s0 =	sor.u32 s3, s0;
	s1 =	sshll.u32 s1, $0x11  }
0xba: {  	s0 =	sor.u32 s1, s0  }
0xbb: {  	s0 =	sadd.s32 $0x8F2B, s0  }
0xbc: {  	[sflag:s0] =	ssyncadd.remote.s32 $0x1  }
0xbd: {  	_ =	sfence.sel $0xFFFF  }
0xbe: {  	[dreg:$0x0] =	wrdreg $0xFFFFFFFF;
	(pc) =	sbr.abs _section_cstart, $3  }
0xbf: {  	[dreg:$0x1] =	wrdreg $0xFFFFFFFF  }
0xc0: {  	_ =	task.clear_ibuf [dreg:s6], $0x2FFFF;
	_ =	strace $0x9FFFFFFF  }
0xc1: {  	(tm) =	ssettm $0x7FFFFFFF  }
tec
execute0_lowered:
.L_overlay_start_1:
0x0: {  	(tag) =	ssettag $0x1  }
0x1: {  	s1 =	srdreg.scid  }
0x2: {  	s0 =	stileid.u32;
	s2 =	rddreg [dreg:$0x0];
	s6 =	simm.s32 $0x1  }
0x3: {  	s9 =	simm.s32 $0x1;
	s10 =	simm.s32 $0x3;
	s1 =	sshll.u32 s1, $0x6  }
0x4: {  	s13 =	simm.s32 $0x0;
	s3 =	sshll.u32 s0, $0x7;
	s4 =	sand.u32 $0x40, s1  }
0x5: {  	s12 =	simm.s32 $0x0;
	s5 =	sadd.s32 $0x9400, s2;
	s3 =	sor.u32 s3, s4  }
0x6: {  	s1 =	rddreg [dreg:$0x1];
	_ =	strace $0x8000004A;
	s8 =	ssub.s32 $0x1000, s3  }
.Ltmp0:
0x7: {  	s4 =	sadd.s32 $0x9A00, s2;
	s7 =	sand.u32 $0x7C0, s8;
	(pc) =	sbr.rel .LBB2_1-.Ltmp0, $4  }
0x8: {  	[sflag:s6] =	ssyncpa.u1 $0x0;
	s11 =	smov.u32 s3;
	p0 =	sne.s32 s7, $0x0  }
0x9: {  	s8 =	sshrl.u32 s8, $0xB;
	s7 =	simm.s32 $0x2;
	s9 =	simm.s32 @!p0 $0x0  }
0xa: {  	[sflag:s7] =	ssyncpa.u1 $0x0;
	p0 =	por $0x0, $0x0;
	s8 =	sadd.s32 s9, s8  }
0xb: {  	vm0 =	vmmov $0xffff;
	[sflag:s10] =	ssyncpa.u1 $0x0;
	s10 =	simm.s32 $0x0;
	s9 =	sadd.s32 $0x1, s8  }
.LBB2_4:
0xc: {  	vm1 =	veq.s32 v0, $0x80000000;
	v63 =	vand.u32 $0x7FF, v0;
	v2 =	vand.u32 $0xF, v2  }
0xd: {  	v0 =	vsel vm1, $0xFFFFFFFF, v63;
	v2 =	vsel vm1, $0xFFFFFFFF, v2  }
0xe: {  	v3 =	vshll.u32 v2, $0xB;
	v4 =	vshll.u32 v0, $0x3  }
0xf: {  	v2 =	vshll.u32 v2, $0x7;
	v3 =	vand.u32 $0xFFFFC000, v3;
	v4 =	vand.u32 $0xFFFFFC00, v4  }
0x10: {  	v2 =	vand.u32 $0x380, v2;
	v3 =	vadd.s32 v4, v3  }
0x11: {  	v0 =	vand.u32 $0x7F, v0;
	v2 =	vor.u32 v2, v3  }
0x12: {  	v0 =	vor.u32 v0, v2;
	_ =	sdelay $0x1  }
0x13: {  	(ifvalue) =	ssetifvalue $0x7FFFFFFF;
	s14 =	sadd.s32 $0x10, s14  }
0x14: {  	[tilespmem:s14], [sflag:$0x1] =	stream.indirect_vreg.gather [hbm4b:s2+s10], $0x1, v1, vm0, $0x4038;
	[tilespmem:$0x100] =	vst v63  }
0x15: {  	(ifvalue) =	ssetifvalue $0x7FFFFFFF;
	s14 =	sadd.s32 $0x10, s14  }
0x16: {  	[tilespmem:s14], [sflag:$0x1] =	stream.indirect_vreg.gather [hbm4b:s2+s10], $0x1, v0, vm0, $0x4038;
	[tilespmem:$0x100] =	vst v63  }
0x17: {  	_ =	swait.ge [sflag:s6], $0x40  }
0x18: {  	s30 =	sshrl.u32 s13, $0x3;
	[sflag:s6] =	ssyncset.done $0x0  }
0x19: {  	s31 =	sand.u32 $0x7, s13;
	s14 =	sadd.s32 s5, s30;
	[sflag:s6] =	ssyncadd.s32 $0xFFFFFFC0  }
0x1a: {  	[hbm4b:s14+s31] =	stream.linear.scatter [tilespmem:s15], [sflag:$0x3], $0x40, $0x38;
	[tilespmem:$0x100] =	vst v63  }
.LBB2_5:
0x1b: {  	s15 =	sadd.s32 $0x800, s11  }
0x1c: {  	p2 =	sgt.s32 s15, $0xFFF  }
0x1d: {  	s15 =	smov.u32 @p2 s3;
	p2 =	sne.s32 s12, s9  }
.Ltmp1:
0x1e: {  	p1 =	slt.u32 s12, $0x2;
	(pc) =	sbr.rel @!p2 .LBB2_6-.Ltmp1, $4  }
0x1f: {  	s14 =	simm.s32 @!p1 $0x3  }
0x20: {  	s16 =	sadd.s32 $0x1, s12;
	_ =	swait.ge @!p1 [sflag:s14], $0x40  }
0x21: {  	s13 =	smov.u32 s11;
	p0 =	por !p0, !p0;
	[sflag:s14] =	ssyncset.done @!p1 $0x0  }
0x22: {  	s12 =	smov.u32 s16;
	s11 =	smov.u32 s15;
	[sflag:s14] =	ssyncadd.s32 @!p1 $0xFFFFFFC0  }
.LBB2_1:
0x23: {  	p1 =	sge.u32 s12, s8  }
0x24: {  	s14 =	sxor.u32 @!p1 $0xFFFFFFFF, s12  }
0x25: {  	s31 =	sadd.s32 $0xFFFFFFFF, s12;
	s15 =	sshrl.u32 @!p1 s11, $0x3;
	s14 =	sshll.u32 @!p1 s14, $0x6  }
0x26: {  	s16 =	sand.u32 @!p1 $0x7, s11;
	s15 =	sadd.s32 @!p1 s4, s15;
	s14 =	sand.u32 @!p1 $0x40, s14  }
0x27: {  	[tilespmem:s14], [sflag:$0x2] =	stream.linear.gather @!p1 [hbm4b:s15+s16], $0x40, $0x38;
	[tilespmem:$0x100] =	vst v63  }
0x28: {  	p1 =	sge.u32 s31, s8  }
.Ltmp2:
0x29: {  	_ = 	snop;
	(pc) =	sbr.rel @p1 .LBB2_5-.Ltmp2, $1  }
0x2a: {  	_ =	sdelay $0x3  }
0x2b: {  	s14 =	simm.s32 $0x1  }
0x2c: {  	_ =	swait.ge [sflag:s7], $0x40;
	s14 =	simm.s32 @!p0 $0x0  }
0x2d: {  	[sflag:s7] =	ssyncset.done $0x0;
	s14 =	sshll.u32 s14, $0x6  }
0x2e: {  	[sflag:s7] =	ssyncadd.s32 $0xFFFFFFC0;
	(ifvalue) =	ssetifvalue $0x7FFFFFFF;
	v0 =	vld.msk [tilespmem:s14+$0x0 ss:$0x1], $0xffff;
	_ =	sdelay $0x4  }
0x2f: {  	s15 =	sadd.s32 $0x10, s14;
	v1 =	vshrl.u32 v0, $0xB  }
0x30: {  	v2 =	vld.msk [tilespmem:s15+$0x0 ss:$0x1], $0xffff;
	vm1 =	veq.s32 v0, $0x80000000;
	v0 =	vand.u32 $0x7FF, v0;
	v1 =	vand.u32 $0xF, v1  }
0x31: {  	v0 =	vsel vm1, $0xFFFFFFFF, v0;
	v1 =	vsel vm1, $0xFFFFFFFF, v1  }
0x32: {  	v4 =	vshll.u32 v0, $0x3;
	v3 =	vshll.u32 v1, $0xB  }
0x33: {  	v4 =	vand.u32 $0xFFFFFC00, v4;
	v1 =	vshll.u32 v1, $0x7;
	v3 =	vand.u32 $0xFFFFC000, v3  }
0x34: {  	v0 =	vand.u32 $0x7F, v0;
	v1 =	vand.u32 $0x380, v1;
	v3 =	vadd.s32 v4, v3  }
0x35: {  	vm1 =	veq.s32 v2, $0x80000000;
	v1 =	vor.u32 v1, v3;
	v3 =	vshrl.u32 v2, $0xB  }
0x36: {  	s17 =	sadd.s32 $0x10, s15;
	v2 =	vand.u32 $0x7FF, v2;
	v1 =	vor.u32 v0, v1;
	v3 =	vand.u32 $0xF, v3  }
0x37: {  	v0 =	vld.msk [tilespmem:s17+$0x0 ss:$0x1], $0xffff;
	v2 =	vsel vm1, $0xFFFFFFFF, v2;
	v3 =	vsel vm1, $0xFFFFFFFF, v3  }
0x38: {  	v5 =	vshll.u32 v2, $0x3;
	v63 =	vshll.u32 v3, $0xB  }
0x39: {  	s31 =	sshll.u32 s12, $0x6;
	v5 =	vand.u32 $0xFFFFFC00, v5;
	v3 =	vshll.u32 v3, $0x7;
	v4 =	vand.u32 $0xFFFFC000, v63  }
0x3a: {  	s14 =	sor.u32 $0x80, s14;
	s15 =	sand.u32 $0x40, s31;
	(ifvalue) =	ssetifvalue $0x7FFFFFFF;
	v3 =	vand.u32 $0x380, v3;
	v4 =	vadd.s32 v5, v4  }
0x3b: {  	[tilespmem:s14], [sflag:$0x1] =	stream.indirect_vreg.gather [hbm4b:s2+s10], $0x1, v1, vm0, $0x4038;
	v1 =	vand.u32 $0x7F, v2;
	v3 =	vor.u32 v3, v4;
	[tilespmem:$0x100] =	vst v63  }
0x3c: {  	s16 =	simm.s32 $0x20;
	s15 =	sor.u32 $0x80, s15;
	s17 =	sadd.s32 $0x10, s17;
	v2 =	vshrl.u32 v0, $0xB;
	v1 =	vor.u32 v1, v3  }
.LBB2_3:
0x3d: {  	s16 =	sadd.s32 $0x10, s16;
	vm1 =	veq.s32 v0, $0x80000000;
	v3 =	vand.u32 $0x7FF, v0;
	v0 =	vld.msk [tilespmem:s17+$0x0 ss:$0x1], $0xffff;
	v2 =	vand.u32 $0xF, v2  }
0x3e: {  	p1 =	slt.u32 s16, $0x30;
	v3 =	vsel vm1, $0xFFFFFFFF, v3;
	v2 =	vsel vm1, $0xFFFFFFFF, v2  }
.Ltmp3:
0x3f: {  	v4 =	vshll.u32 v2, $0xB;
	v5 =	vshll.u32 v3, $0x3;
	(pc) =	sbr.rel @p1 .LBB2_3-.Ltmp3, $4  }
0x40: {  	s14 =	sadd.s32 $0x10, s14;
	v2 =	vshll.u32 v2, $0x7;
	v4 =	vand.u32 $0xFFFFC000, v4;
	v5 =	vand.u32 $0xFFFFFC00, v5;
	(ifvalue) =	ssetifvalue $0x7FFFFFFF  }
0x41: {  	v2 =	vand.u32 $0x380, v2;
	v4 =	vadd.s32 v5, v4;
	[tilespmem:s14], [sflag:$0x1] =	stream.indirect_vreg.gather [hbm4b:s2+s10], $0x1, v1, vm0, $0x4038;
	[tilespmem:$0x100] =	vst v63  }
0x42: {  	v1 =	vand.u32 $0x7F, v3;
	v3 =	vor.u32 v2, v4  }
0x43: {  	s17 =	sadd.s32 $0x10, s17;
	v2 =	vshrl.u32 v0, $0xB;
	v1 =	vor.u32 v1, v3  }
.Ltmp4:
0x44: {  	_ = 	snop;
	(pc) =	sbr.rel .LBB2_4-.Ltmp4, $1  }
0x45: {  	_ =	sdelay $0x3  }
.LBB2_6:
0x46: {  	_ =	sfence.sel $0x180000  }
0x47: {  	s2 =	simm.s32 $0x2;
	[bflag:$0x0] =	sbarrier.arrive $0xFFFF  }
0x48: {  	s30 =	simm.s32 $0x3;
	[sflag:s2] =	ssyncpa.u1 $0x1  }
0x49: {  	s31 =	simm.s32 $0x1;
	[sflag:s30] =	ssyncpa.u1 $0x1  }
0x4a: {  	[sflag:s31] =	ssyncpa.u1 $0x1  }
0x4b: {  	p0 =	sne.s32 s0, $0x0;
	_ =	strace $0x9000004A  }
0x4c: {  	s0 =	sadd.s32 @!p0 $0x100000, s1;
	[bflag:$0x2] =	sbarrier.arrive $0xFFFF  }
0x4d: {  	[sflag:s0] =	ssyncadd.tile.s32 @!p0 $0x1;
	_ =	shalt  }
.Lfunc_end2:
_tile_overlayer_lowered:
.L_overlay_start_2:
0x4e: {  	(tag) =	ssettag $0x2  }
0x4f: {  	s0 =	rddreg [dreg:$0x0];
	s2 =	stileid.u32  }
0x50: {  	s1 =	rddreg [dreg:$0x1];
	p0 =	sne.s32 s2, $0x0  }
0x51: {  	s3 =	rddreg [dreg:$0x2];
	[bflag:$0x3] =	sbarrier.arrive $0xFFFF;
	s2 =	simm.s32 @!p0 $0x1C01  }
0x52: {  	[timem:s3], [sflag:s2] =	dma.local @!p0 [hbm:s0], s1  }
0x53: {  	s0 =	simm.s32 @!p0 $0x1  }
0x54: {  	_ =	swait.ge @!p0 [sflag:s0], s1  }
0x55: {  	s1 =	ssub.s32 @!p0 $0x0, s1;
	[sflag:s0] =	ssyncset.done @!p0 $0x0  }
0x56: {  	[sflag:s0] =	ssyncadd.s32 @!p0 s1  }
0x57: {  	[bflag:$0x3] =	sbarrier.arrive $0xFFFF  }
0x58: {  	_ =	shalt  }

// kernel: gather_offload_async_start.2
scs
__scs_entry_jumppad:
0x0: {  	(pc) =	sbr.rel $0x88, $3  }
0x1: {  	(tag) =	ssettag $0x0;
	lr =	simm.s32 $0x1  }
0x2: {  	[smem:$0x3F98] =	sst lr;
	_ =	strace $0xD0000000  }
0x3: {  	_ = 	snop  }
0x4: {  	_ = 	snop  }
0x5: {  	_ = 	snop  }
0x6: {  	_ = 	snop  }
0x7: {  	_ = 	snop  }
__scs_overlays_trampoline_lowered:
0x8: {  	[smem:$0x3FA7] =	sst s0  }
0x9: {  	[smem:$0x3FA8] =	sst s1  }
0xa: {  	[smem:$0x3FA9] =	sst s2  }
0xb: {  	[smem:$0x3FAA] =	sst s3  }
0xc: {  	[smem:$0x3FAB] =	sst s4  }
0xd: {  	[smem:$0x3FAC] =	sst s5  }
0xe: {  	[smem:$0x3FAD] =	sst s6  }
0xf: {  	[smem:$0x3FAE] =	sst s7  }
0x10: {  	[smem:$0x3FAF] =	sst s8  }
0x11: {  	[smem:$0x3FB0] =	sst s9;
	s0 =	simm.s32 @!p0 $0x0  }
0x12: {  	s1 =	sld [smem:$0x3F96];
	s0 =	simm.s32 @p0 $0x1  }
0x13: {  	[smem:$0x3FB1] =	sst s0;
	s0 =	simm.s32 @!p1 $0x0  }
0x14: {  	s2 =	sld [smem:$0x3F95];
	s0 =	simm.s32 @p1 $0x1  }
0x15: {  	[smem:$0x3FB2] =	sst s0;
	s0 =	simm.s32 @!p2 $0x0  }
0x16: {  	s3 =	sld [smem:$0x3FDB];
	s0 =	simm.s32 @p2 $0x1  }
0x17: {  	s4 =	simm.s32 $0x1BF5;
	[smem:$0x3FB4] =	sst s0  }
0x18: {  	s0 =	sld [smem:$0x3F97];
	_ =	swait.ge [sflag:s4], $0x0  }
0x19: {  	s7 =	sld [smem:$0x3F98]  }
0x1a: {  	s8 =	sadd.s32 $0xFFFFE003, lr  }
0x1b: {  	s9 =	sadd.s32 $0xFFFFFEF7, lr;
	s5 =	simm.s32 $0xFFFFFFFF;
	p2 =	slt.u32 s8, $0xFFFFF086  }
0x1c: {  	p1 =	slt.u32 s9, $0xF7A;
	s5 =	simm.s32 @!p2 $0x0  }
0x1d: {  	s5 =	simm.s32 @p1 $0x1;
	p0 =	seq.s32 s7, s2  }
0x1e: {  	s7 =	smul.u32 @!p0 $0xF7A, s2;
	p2 =	seq.s32 @!p0 s5, $0x0  }
0x1f: {  	s9 =	smul.u32 $0xF7A, s1;
	s8 =	simm.s32 @!p0 $0x1BF5;
	p2 =	por !p2, p0  }
0x20: {  	[sflag:s8] =	ssyncset.s32 @!p0 $0xFFFFF086;
	s6 =	sadd.s32 @!p0 s3, s7;
	s7 =	simm.s32 @!p0 $0x108  }
0x21: {  	s3 =	sadd.s32 s3, s9;
	s6 =	sadd.s32 @!p0 $0x88, s6;
	s7 =	simm.s32 @p2 $0x1082  }
0x22: {  	[simem:s7], [sflag:s8] =	dma.local @!p0 [hbm:s6], $0xF7A  }
0x23: {  	s9 =	sor.u32 $0xD0000000, s2;
	s6 =	simm.s32 $0x108;
	_ =	swait.ge @!p0 [sflag:s8], $0x0  }
0x24: {  	s3 =	sadd.s32 $0x88, s3;
	s6 =	simm.s32 @!p1 $0x1082;
	[sflag:s4] =	ssyncset.s32 $0xFFFFF086  }
0x25: {  	[simem:s6], [sflag:s4] =	dma.local [hbm:s3], $0xF7A  }
0x26: {  	[smem:$0x3F98] =	sst s1;
	(tag) =	ssettag s2;
	_ =	strace s9  }
0x27: {  	s1 =	sld [smem:$0x3FA8]  }
0x28: {  	s2 =	sld [smem:$0x3FA9]  }
0x29: {  	s4 =	sld [smem:$0x3FAB]  }
0x2a: {  	p0 =	seq.s32 s5, $0x0;
	s5 =	sld [smem:$0x3FAC]  }
0x2b: {  	s6 =	sld [smem:$0x3FAD]  }
0x2c: {  	s7 =	sld [smem:$0x3FAE]  }
0x2d: {  	s3 =	simm.s32 $0x108;
	s8 =	sld [smem:$0x3FAF]  }
0x2e: {  	s3 =	simm.s32 @!p0 $0x1082;
	s9 =	sld [smem:$0x3FB0]  }
0x2f: {  	lr =	sadd.s32 s0, s3;
	s0 =	sld [smem:$0x3FA7]  }
0x30: {  	s3 =	sld [smem:$0x3FAA]  }
0x31: {  	[smem:$0x3FB3] =	sst s10  }
0x32: {  	s10 =	sld [smem:$0x3FB1];
	_ =	sdelay $0x3  }
0x33: {  	p0 =	seq.s32 s10, $0x1;
	s10 =	sld [smem:$0x3FB3];
	_ =	sdelay $0x3  }
0x34: {  	[smem:$0x3FB3] =	sst s10  }
0x35: {  	s10 =	sld [smem:$0x3FB2];
	_ =	sdelay $0x3  }
0x36: {  	p1 =	seq.s32 s10, $0x1;
	s10 =	sld [smem:$0x3FB3];
	_ =	sdelay $0x3  }
0x37: {  	[smem:$0x3FB3] =	sst s10  }
0x38: {  	s10 =	sld [smem:$0x3FB4]  }
0x39: {  	_ = 	snop;
	(pc) =	sbr.ind lr, $3  }
0x3a: {  	_ = 	snop  }
0x3b: {  	_ = 	snop  }
0x3c: {  	p2 =	seq.s32 s10, $0x1;
	s10 =	sld [smem:$0x3FB3]  }
0x3d: {  	_ =	shalt  }
0x3e: {  	_ =	shalt  }
0x3f: {  	_ =	shalt  }
0x40: {  	_ =	shalt  }
0x41: {  	_ =	shalt  }
0x42: {  	_ =	shalt  }
0x43: {  	_ =	shalt  }
0x44: {  	_ =	shalt  }
0x45: {  	_ =	shalt  }
0x46: {  	_ =	shalt  }
0x47: {  	_ =	shalt  }
0x48: {  	_ =	shalt  }
0x49: {  	_ =	shalt  }
0x4a: {  	_ =	shalt  }
0x4b: {  	_ =	shalt  }
0x4c: {  	_ =	shalt  }
0x4d: {  	_ =	shalt  }
0x4e: {  	_ =	shalt  }
0x4f: {  	_ =	shalt  }
0x50: {  	_ =	shalt  }
0x51: {  	_ =	shalt  }
0x52: {  	_ =	shalt  }
0x53: {  	_ =	shalt  }
0x54: {  	_ =	shalt  }
0x55: {  	_ =	shalt  }
0x56: {  	_ =	shalt  }
0x57: {  	_ =	shalt  }
0x58: {  	_ =	shalt  }
0x59: {  	_ =	shalt  }
0x5a: {  	_ =	shalt  }
0x5b: {  	_ =	shalt  }
0x5c: {  	_ =	shalt  }
0x5d: {  	_ =	shalt  }
0x5e: {  	_ =	shalt  }
0x5f: {  	_ =	shalt  }
0x60: {  	_ =	shalt  }
0x61: {  	_ =	shalt  }
0x62: {  	_ =	shalt  }
0x63: {  	_ =	shalt  }
0x64: {  	_ =	shalt  }
0x65: {  	_ =	shalt  }
0x66: {  	_ =	shalt  }
0x67: {  	_ =	shalt  }
0x68: {  	_ =	shalt  }
0x69: {  	_ =	shalt  }
0x6a: {  	_ =	shalt  }
0x6b: {  	_ =	shalt  }
0x6c: {  	_ =	shalt  }
0x6d: {  	_ =	shalt  }
0x6e: {  	_ =	shalt  }
0x6f: {  	_ =	shalt  }
0x70: {  	_ =	shalt  }
0x71: {  	_ =	shalt  }
0x72: {  	_ =	shalt  }
0x73: {  	_ =	shalt  }
0x74: {  	_ =	shalt  }
0x75: {  	_ =	shalt  }
0x76: {  	_ =	shalt  }
0x77: {  	_ =	shalt  }
0x78: {  	_ =	shalt  }
0x79: {  	_ =	shalt  }
0x7a: {  	_ =	shalt  }
0x7b: {  	_ =	shalt  }
0x7c: {  	_ =	shalt  }
0x7d: {  	_ =	shalt  }
0x7e: {  	_ =	shalt  }
0x7f: {  	_ =	shalt  }
0x80: {  	_ =	shalt  }
0x81: {  	_ =	shalt  }
0x82: {  	_ =	shalt  }
0x83: {  	_ =	shalt  }
0x84: {  	_ =	shalt  }
0x85: {  	_ =	shalt  }
0x86: {  	_ =	shalt  }
0x87: {  	_ =	shalt  }
.Lfunc_end0:
.L_simem_size_0:
called_computation.2_lowered:
.L_overlay_start_0:
0x88: {  	s2 =	sld [smem:$0x3FD9]  }
0x89: {  	s3 =	sld [smem:$0x3FFE];
	_ =	sdelay $0x1  }
0x8a: {  	s1 =	srdreg.scid  }
0x8b: {  	s0 =	sand.u32 $0x1, s1  }
0x8c: {  	s17 =	sshll.u32 s0, $0xA;
	s2 =	sadd.s32 s3, s2  }
0x8d: {  	s2 =	sadd.s32 s2, s17  }
0x8e: {  	[smem:$0x3FBF] =	sst s2  }
0x8f: {  	_ = 	snop  }
0x90: {  	(tm) =	ssettm $0x1  }
0x91: {  	s18 =	sld [smem:$0x3FFB];
	_ =	sdelay $0x3  }
0x92: {  	_ =	strace s18  }
0x93: {  	s2 =	sld [smem:$0x3FFC];
	_ =	sdelay $0x3  }
0x94: {  	_ =	strace s2  }
0x95: {  	s2 =	sld [smem:$0x3FFD];
	_ =	sdelay $0x3  }
0x96: {  	_ =	strace s2  }
0x97: {  	_ =	strace $0x8FFFFFFF  }
0x98: {  	s19 =	sld [smem:$0x3FDB];
	_ =	sdelay $0x1  }
0x99: {  	s20 =	simm.s32 $_scs_section_size  }
0x9a: {  	s4 =	simm.s32 $_size__tile_overlayer_lowered;
	s5 =	simm.s32 $_tile_overlayer_lowered  }
0x9b: {  	s6 =	simm.s32 $0x1BFF;
	s21 =	sshll.u32 s5, $0x1;
	s3 =	sadd.s32 s20, s19  }
0x9c: {  	s22 =	simm.s32 $0x0;
	s4 =	sshll.u32 s4, $0x1;
	s5 =	sadd.s32 s21, s3  }
0x9d: {  	[timem:s22], [sflag:s6] =	dma.local [hbm:s5], s4  }
0x9e: {  	_ =	swait.ge [sflag:s6], s4  }
0x9f: {  	s4 =	ssub.s32 $0x0, s4;
	[sflag:s6] =	ssyncset.done $0x0  }
0xa0: {  	[sflag:s6] =	ssyncadd.s32 s4;
	_ =	sdelay $0x1  }
0xa1: {  	s23 =	simm.s32 $0x1B8B  }
0xa2: {  	_ =	swait.ge [sflag:s23], $0x1  }
0xa3: {  	[sflag:s23] =	ssyncset.done $0x0  }
0xa4: {  	[sflag:s23] =	ssyncadd.s32 $0xFFFFFFFF  }
0xa5: {  	s4 =	sld [smem:$0x0]  }
0xa6: {  	s5 =	sand.u32 $0xFFFFFFFE, s1  }
0xa7: {  	p0 =	sne.s32 s1, s5  }
0xa8: {  	s5 =	sshll.u32 @p0 s5, $0xE  }
0xa9: {  	s5 =	sadd.s32 @p0 $0x11B8D, s5;
	s6 =	sshll.u32 @p0 s4, $0x11  }
0xaa: {  	s5 =	sor.u32 @p0 s6, s5  }
0xab: {  	[sflag:s5] =	ssyncadd.remote.s32 @p0 $0x1;
	_ =	sdelay $0x1  }
0xac: {  	s5 =	simm.s32 @p0 $0x1B8D  }
0xad: {  	_ =	swait.eq @p0 [sflag:s5], $0x1  }
0xae: {  	[sflag:s5] =	ssyncadd.s32 @p0 $0xFFFFFFFF  }
0xaf: {  	s6 =	sshll.u32 @!p0 s1, $0xE  }
0xb0: {  	s6 =	sor.u32 @!p0 $0x4000, s6;
	s5 =	simm.s32 @!p0 $0x1B8D  }
0xb1: {  	s4 =	sshll.u32 @!p0 s4, $0x11;
	s6 =	sadd.s32 @!p0 $0x11B8D, s6;
	_ =	swait.eq @!p0 [sflag:s5], $0x1  }
0xb2: {  	s4 =	sor.u32 @!p0 s4, s6;
	[sflag:s5] =	ssyncadd.s32 @!p0 $0xFFFFFFFF  }
0xb3: {  	s25 =	simm.s32 $0x1B8E;
	s24 =	sld [smem:$0x3FFE];
	[sflag:s4] =	ssyncadd.remote.s32 @!p0 $0x1  }
0xb4: {  	s26 =	simm.s32 $execute0_lowered;
	[smem:$0x3FD2] =	sst s25  }
0xb5: {  	s5 =	sshll.u32 s26, $0x1;
	_ =	strace $0x8000004C;
	[dreg:$0x1] =	wrdreg $0xFFFFFFFF  }
0xb6: {  	s28 =	simm.s32 $_size_execute0_lowered;
	s3 =	sadd.s32 s3, s5;
	[dreg:$0x0] =	wrdreg $0x0  }
0xb7: {  	s5 =	sshll.u32 s28, $0x1;
	[dreg:$0x2] =	wrdreg s3  }
0xb8: {  	[dreg:$0x3] =	wrdreg s5  }
0xb9: {  	[dreg:$0x4] =	wrdreg $0xC0  }
0xba: {  	_ =	task [dreg:s22], $0x5FFFF  }
0xbb: {  	[dreg:$0x1] =	wrdreg $0xFFFFFFFF  }
0xbc: {  	[dreg:$0x0] =	wrdreg $0x60  }
0xbd: {  	[dreg:$0x2] =	wrdreg s24  }
0xbe: {  	[dreg:$0x3] =	wrdreg $0x9  }
0xbf: {  	_ =	task.clear_ibuf [dreg:s22], $0x4FFFF;
	_ =	strace $0x9000004C  }
0xc0: {  	s29 =	simm.s32 $0x9;
	_ =	strace $0x8000004E  }
0xc1: {  	_ =	swait.ge [sflag:s29], $0x1  }
0xc2: {  	[sflag:s29] =	ssyncadd.s32 $0xFFFFFFFF  }
0xc3: {  	_ =	strace $0x9000004E  }
0xc4: {  	_ =	sfence  }
0xc5: {  	s30 =	sld [smem:$0x0];
	_ =	sdelay $0x2  }
0xc6: {  	s31 =	sshll.u32 s1, $0xD;
	s1 =	sshrl.u32 s1, $0x2  }
0xc7: {  	s4 =	sand.u32 $0x4000, s31;
	s1 =	sadd.s32 s1, s30  }
0xc8: {  	s0 =	sor.u32 s4, s0;
	s1 =	sshll.u32 s1, $0x11  }
0xc9: {  	s0 =	sor.u32 s1, s0  }
0xca: {  	s0 =	sadd.s32 $0x8F2B, s0  }
0xcb: {  	[sflag:s0] =	ssyncadd.remote.s32 $0x1  }
0xcc: {  	_ =	sfence.sel $0xFFFF  }
0xcd: {  	[dreg:$0x0] =	wrdreg $0xFFFFFFFF;
	(pc) =	sbr.abs _section_cstart, $3  }
0xce: {  	[dreg:$0x1] =	wrdreg $0xFFFFFFFF  }
0xcf: {  	_ =	task.clear_ibuf [dreg:s22], $0x2FFFF;
	_ =	strace $0x9FFFFFFF  }
0xd0: {  	(tm) =	ssettm $0x7FFFFFFF  }
0xd1: {  	_ =	shalt  }
tec
execute0_lowered:
.L_overlay_start_1:
0x0: {  	(tag) =	ssettag $0x1  }
0x1: {  	s7 =	rddreg [dreg:$0x0]  }
0x2: {  	s0 =	rddreg [dreg:$0x1];
	_ =	strace $0x8000004D  }
0x3: {  	s1 =	srdreg.scid;
	s4 =	simm.s32 $0x1;
	s9 =	simm.s32 $0x3  }
0x4: {  	s11 =	simm.s32 $0x0;
	p0 =	por $0x0, $0x0;
	s5 =	sshll.u32 s1, $0x4  }
.Ltmp0:
0x5: {  	s1 =	stileid.u32;
	s5 =	sand.u32 $0x10, s5;
	(pc) =	sbr.rel .LBB2_1-.Ltmp0, $4  }
0x6: {  	s2 =	sadd.s32 $0xC9C00, s7;
	s3 =	sadd.s32 $0x9200, s7;
	s6 =	sor.u32 s1, s5  }
0x7: {  	[sflag:s4] =	ssyncpa.u1 $0x0;
	s5 =	simm.s32 $0x2;
	s6 =	sshll.u32 s6, $0x6  }
0x8: {  	s7 =	sadd.s32 $0x9C00, s7;
	[sflag:s5] =	ssyncpa.u1 $0x0;
	s8 =	sadd.s32 $0x40, s6  }
0x9: {  	vm0 =	vmmov $0xff;
	vm1 =	vcmask $0x3F20;
	[sflag:s9] =	ssyncpa.u1 $0x0;
	s10 =	smov.u32 s6;
	s9 =	simm.s32 $0x0  }
.LBB2_9:
0xa: {  	p1 =	slt.u32 s9, $0x2;
	s11 =	sadd.s32 $0x20, s10  }
0xb: {  	s13 =	smov.u32 s6;
	s9 =	sadd.s32 $0x1, s9;
	p2 =	slt.s32 s11, s8  }
0xc: {  	s13 =	smov.u32 @p2 s11;
	p2 =	sne.s32 s9, $0x4  }
.Ltmp1:
0xd: {  	_ = 	snop;
	(pc) =	sbr.rel @!p2 .LBB2_10-.Ltmp1, $4  }
0xe: {  	s12 =	simm.s32 @!p1 $0x3  }
0xf: {  	_ =	swait.ge @!p1 [sflag:s12], $0x8000  }
0x10: {  	p0 =	por !p0, !p0;
	[sflag:s12] =	ssyncset.done @!p1 $0x0  }
0x11: {  	s11 =	smov.u32 s10;
	s10 =	smov.u32 s13;
	[sflag:s12] =	ssyncadd.s32 @!p1 $0xFFFF8000  }
.LBB2_1:
0x12: {  	p1 =	sgt.u32 s9, $0x1  }
0x13: {  	s12 =	sshll.u32 @!p1 s9, $0x5;
	s13 =	sshrl.u32 @!p1 s10, $0x3  }
0x14: {  	s14 =	sand.u32 @!p1 $0x7, s10;
	s12 =	sxor.u32 @!p1 $0x20, s12;
	s13 =	sadd.s32 @!p1 s3, s13  }
0x15: {  	[tilespmem:s12], [sflag:$0x2] =	stream.linear.gather @!p1 [hbm4b:s13+s14], $0x20, $0x38;
	[tilespmem:$0x10040] =	vst v63  }
0x16: {  	p1 =	seq.s32 s9, $0x0  }
0x17: {  	p2 =	seq.s32 @!p1 s9, $0x3  }
0x18: {  	p1 =	por p1, p2  }
.Ltmp2:
0x19: {  	_ = 	snop;
	(pc) =	sbr.rel @p1 .LBB2_9-.Ltmp2, $1  }
0x1a: {  	_ =	sdelay $0x3  }
0x1b: {  	s12 =	simm.s32 $0x1  }
0x1c: {  	_ =	swait.ge [sflag:s5], $0x20;
	s13 =	sand.u32 $0x1, s9;
	s12 =	simm.s32 @!p0 $0x0  }
0x1d: {  	s15 =	simm.s32 $0x0;
	p2 =	por $0x1, $0x1;
	s12 =	sshll.u32 s12, $0x11  }
0x1e: {  	[sflag:s5] =	ssyncset.done $0x0;
	s13 =	sshll.u32 s13, $0x5;
	s14 =	sshrl.u32 s12, $0x2  }
0x1f: {  	[sflag:s5] =	ssyncadd.s32 $0xFFFFFFE0;
	s12 =	sor.u32 $0x40, s14;
	s14 =	sadd.s32 $0x40, s14  }
.LBB2_3:
0x20: {  	s16 =	sshll.u32 s15, $0x4  }
0x21: {  	s16 =	sand.u32 $0x3FFFFFF0, s16  }
0x22: {  	s16 =	sadd.s32 s16, s13  }
0x23: {  	v0 =	vld.msk [tilespmem:s16+$0x0 ss:$0x1], $0xffff;
	_ =	sdelay $0x4  }
0x24: {  	vm2 =	vgt.s32 v0, $0x0  }
0x25: {  	v0 =	vnsel vm2, $0x0, v0  }
0x26: {  	v0 =	vmin.u32 v0, $0x17FF  }
0x27: {  	v1 =	vshll.u32 v0, $0x7;
	v0 =	vshll.u32 v0, $0x4  }
0x28: {  	v1 =	vand.u32 $0xFFC00, v1;
	v0 =	vand.u32 $0x70, v0  }
0x29: {  	v0 =	vor.u32 v0, v1  }
0x2a: {  	s31 =	sshll.u32 s15, $0x10  }
0x2b: {  	s15 =	sshra.s32 s31, $0x2  }
0x2c: {  	s15 =	sadd.s32 s15, s14  }
0x2d: {  	s17 =	sadd.s32 $0x0, s15  }
0x2e: {  	[tilespmem:s17], [sflag:$0x1] =	stream.indirect_vreg.gather [hbm:s2], $0x80, v0, vm0, $0x38;
	[tilespmem:$0x10040] =	vst v63  }
0x2f: {  	p1 =	por p2, p2;
	s16 =	simm.s32 $0x1000;
	v1 =	vadd.s32 $0x80, v0;
	s17 =	sadd.s32 $0x2000, s17  }
.LBB2_4:
0x30: {  	[tilespmem:s17], [sflag:$0x1] =	stream.indirect_vreg.gather [hbm:s2], $0x80, v0, vm1, $0x38;
	[tilespmem:$0x10040] =	vst v63  }
0x31: {  	v0 =	vmov v1;
	s17 =	smov.u32 s16;
	p2 =	sne.s32 s16, $0x7000  }
.Ltmp3:
0x32: {  	s16 =	sadd.s32 $0x1000, s16;
	(pc) =	sbr.rel @p2 .LBB2_4-.Ltmp3, $4  }
0x33: {  	s17 =	sshra.s32 s17, $0x2  }
0x34: {  	s17 =	sadd.s32 s17, s15  }
0x35: {  	[tilespmem:s17], [sflag:$0x1] =	stream.indirect_vreg.gather [hbm:s2], $0x80, v1, vm0, $0x38;
	[tilespmem:$0x10040] =	vst v63  }
0x36: {  	s17 =	sadd.s32 $0x2000, s17;
	v1 =	vadd.s32 $0x80, v1  }
0x37: {  	_ = 	snop  }
.Ltmp4:
0x38: {  	_ = 	snop;
	(pc) =	sbr.rel @p1 .LBB2_3-.Ltmp4, $3  }
0x39: {  	_ =	sdelay $0x1  }
0x3a: {  	[tilespmem:s17], [sflag:$0x1] =	stream.indirect_vreg.gather [hbm:s2], $0x80, v0, vm1, $0x38;
	[tilespmem:$0x10040] =	vst v63  }
0x3b: {  	s15 =	simm.s32 $0x1;
	p2 =	por $0x0, $0x0  }
0x3c: {  	s13 =	sshll.u32 s11, $0x7  }
0x3d: {  	s31 =	sshll.u32 s11, $0x4;
	s13 =	sand.u32 $0xFFFFFC00, s13  }
0x3e: {  	_ =	swait.ge [sflag:s4], $0x8000;
	s11 =	sand.u32 $0x70, s31;
	s13 =	sadd.s32 s13, s7  }
0x3f: {  	s14 =	sadd.s32 $0x2000, s12;
	[sflag:s4] =	ssyncset.done $0x0;
	s11 =	sadd.s32 s11, s13  }
0x40: {  	[sflag:s4] =	ssyncadd.s32 $0xFFFF8000;
	s13 =	simm.s32 $0x400;
	s15 =	sadd.s32 $0x0, s11  }
.LBB2_7:
0x41: {  	[hbm:s15] =	stream.linear.scatter [tilespmem:s12], [sflag:$0x3], $0x2000, $0x38;
	[tilespmem:$0x10040] =	vst v63  }
0x42: {  	s15 =	smov.u32 s13;
	s12 =	smov.u32 s14;
	p1 =	sne.s32 s13, $0xC00  }
.Ltmp5:
0x43: {  	s13 =	sadd.s32 $0x400, s13;
	(pc) =	sbr.rel @p1 .LBB2_7-.Ltmp5, $2  }
0x44: {  	_ =	sdelay $0x2  }
0x45: {  	s14 =	sadd.s32 $0x2000, s14;
	s15 =	sadd.s32 s15, s11  }
.Ltmp6:
0x46: {  	(pc) =	sbr.rel .LBB2_9-.Ltmp6, $2  }
0x47: {  	_ =	sdelay $0x2  }
0x48: {  	[hbm:s15] =	stream.linear.scatter [tilespmem:s12], [sflag:$0x3], $0x2000, $0x38;
	[tilespmem:$0x10040] =	vst v63  }
.LBB2_10:
0x49: {  	_ =	sfence.sel $0x180000  }
0x4a: {  	s2 =	simm.s32 $0x2;
	[bflag:$0x0] =	sbarrier.arrive $0xFFFF  }
0x4b: {  	s30 =	simm.s32 $0x3;
	[sflag:s2] =	ssyncpa.u1 $0x1  }
0x4c: {  	s31 =	simm.s32 $0x1;
	[sflag:s30] =	ssyncpa.u1 $0x1  }
0x4d: {  	[sflag:s31] =	ssyncpa.u1 $0x1  }
0x4e: {  	p0 =	sne.s32 s1, $0x0;
	_ =	strace $0x9000004D  }
0x4f: {  	s0 =	sadd.s32 @!p0 $0x100000, s0;
	[bflag:$0x2] =	sbarrier.arrive $0xFFFF  }
0x50: {  	[sflag:s0] =	ssyncadd.tile.s32 @!p0 $0x1;
	_ =	shalt  }
.Lfunc_end2:
_tile_overlayer_lowered:
.L_overlay_start_2:
0x51: {  	(tag) =	ssettag $0x2  }
0x52: {  	s0 =	rddreg [dreg:$0x0];
	s2 =	stileid.u32  }
0x53: {  	s1 =	rddreg [dreg:$0x1];
	p0 =	sne.s32 s2, $0x0  }
0x54: {  	s3 =	rddreg [dreg:$0x2];
	[bflag:$0x3] =	sbarrier.arrive $0xFFFF;
	s2 =	simm.s32 @!p0 $0x1C01  }
0x55: {  	[timem:s3], [sflag:s2] =	dma.local @!p0 [hbm:s0], s1  }
0x56: {  	s0 =	simm.s32 @!p0 $0x1  }
0x57: {  	_ =	swait.ge @!p0 [sflag:s0], s1  }
0x58: {  	s1 =	ssub.s32 @!p0 $0x0, s1;
	[sflag:s0] =	ssyncset.done @!p0 $0x0  }
0x59: {  	[sflag:s0] =	ssyncadd.s32 @!p0 s1  }
0x5a: {  	[bflag:$0x3] =	sbarrier.arrive $0xFFFF  }
0x5b: {  	_ =	shalt  }

// kernel: gather_offload_async_start.3
scs
__scs_entry_jumppad:
0x0: {  	(pc) =	sbr.rel $0x88, $3  }
0x1: {  	(tag) =	ssettag $0x0;
	lr =	simm.s32 $0x1  }
0x2: {  	[smem:$0x3F98] =	sst lr;
	_ =	strace $0xD0000000  }
0x3: {  	_ = 	snop  }
0x4: {  	_ = 	snop  }
0x5: {  	_ = 	snop  }
0x6: {  	_ = 	snop  }
0x7: {  	_ = 	snop  }
__scs_overlays_trampoline_lowered:
0x8: {  	[smem:$0x3FA7] =	sst s0  }
0x9: {  	[smem:$0x3FA8] =	sst s1  }
0xa: {  	[smem:$0x3FA9] =	sst s2  }
0xb: {  	[smem:$0x3FAA] =	sst s3  }
0xc: {  	[smem:$0x3FAB] =	sst s4  }
0xd: {  	[smem:$0x3FAC] =	sst s5  }
0xe: {  	[smem:$0x3FAD] =	sst s6  }
0xf: {  	[smem:$0x3FAE] =	sst s7  }
0x10: {  	[smem:$0x3FAF] =	sst s8  }
0x11: {  	[smem:$0x3FB0] =	sst s9;
	s0 =	simm.s32 @!p0 $0x0  }
0x12: {  	s1 =	sld [smem:$0x3F96];
	s0 =	simm.s32 @p0 $0x1  }
0x13: {  	[smem:$0x3FB1] =	sst s0;
	s0 =	simm.s32 @!p1 $0x0  }
0x14: {  	s2 =	sld [smem:$0x3F95];
	s0 =	simm.s32 @p1 $0x1  }
0x15: {  	[smem:$0x3FB2] =	sst s0;
	s0 =	simm.s32 @!p2 $0x0  }
0x16: {  	s3 =	sld [smem:$0x3FDB];
	s0 =	simm.s32 @p2 $0x1  }
0x17: {  	s4 =	simm.s32 $0x1BF5;
	[smem:$0x3FB4] =	sst s0  }
0x18: {  	s0 =	sld [smem:$0x3F97];
	_ =	swait.ge [sflag:s4], $0x0  }
0x19: {  	s7 =	sld [smem:$0x3F98]  }
0x1a: {  	s8 =	sadd.s32 $0xFFFFE003, lr  }
0x1b: {  	s9 =	sadd.s32 $0xFFFFFEF7, lr;
	s5 =	simm.s32 $0xFFFFFFFF;
	p2 =	slt.u32 s8, $0xFFFFF086  }
0x1c: {  	p1 =	slt.u32 s9, $0xF7A;
	s5 =	simm.s32 @!p2 $0x0  }
0x1d: {  	s5 =	simm.s32 @p1 $0x1;
	p0 =	seq.s32 s7, s2  }
0x1e: {  	s7 =	smul.u32 @!p0 $0xF7A, s2;
	p2 =	seq.s32 @!p0 s5, $0x0  }
0x1f: {  	s9 =	smul.u32 $0xF7A, s1;
	s8 =	simm.s32 @!p0 $0x1BF5;
	p2 =	por !p2, p0  }
0x20: {  	[sflag:s8] =	ssyncset.s32 @!p0 $0xFFFFF086;
	s6 =	sadd.s32 @!p0 s3, s7;
	s7 =	simm.s32 @!p0 $0x108  }
0x21: {  	s3 =	sadd.s32 s3, s9;
	s6 =	sadd.s32 @!p0 $0x88, s6;
	s7 =	simm.s32 @p2 $0x1082  }
0x22: {  	[simem:s7], [sflag:s8] =	dma.local @!p0 [hbm:s6], $0xF7A  }
0x23: {  	s9 =	sor.u32 $0xD0000000, s2;
	s6 =	simm.s32 $0x108;
	_ =	swait.ge @!p0 [sflag:s8], $0x0  }
0x24: {  	s3 =	sadd.s32 $0x88, s3;
	s6 =	simm.s32 @!p1 $0x1082;
	[sflag:s4] =	ssyncset.s32 $0xFFFFF086  }
0x25: {  	[simem:s6], [sflag:s4] =	dma.local [hbm:s3], $0xF7A  }
0x26: {  	[smem:$0x3F98] =	sst s1;
	(tag) =	ssettag s2;
	_ =	strace s9  }
0x27: {  	s1 =	sld [smem:$0x3FA8]  }
0x28: {  	s2 =	sld [smem:$0x3FA9]  }
0x29: {  	s4 =	sld [smem:$0x3FAB]  }
0x2a: {  	p0 =	seq.s32 s5, $0x0;
	s5 =	sld [smem:$0x3FAC]  }
0x2b: {  	s6 =	sld [smem:$0x3FAD]  }
0x2c: {  	s7 =	sld [smem:$0x3FAE]  }
0x2d: {  	s3 =	simm.s32 $0x108;
	s8 =	sld [smem:$0x3FAF]  }
0x2e: {  	s3 =	simm.s32 @!p0 $0x1082;
	s9 =	sld [smem:$0x3FB0]  }
0x2f: {  	lr =	sadd.s32 s0, s3;
	s0 =	sld [smem:$0x3FA7]  }
0x30: {  	s3 =	sld [smem:$0x3FAA]  }
0x31: {  	[smem:$0x3FB3] =	sst s10  }
0x32: {  	s10 =	sld [smem:$0x3FB1];
	_ =	sdelay $0x3  }
0x33: {  	p0 =	seq.s32 s10, $0x1;
	s10 =	sld [smem:$0x3FB3];
	_ =	sdelay $0x3  }
0x34: {  	[smem:$0x3FB3] =	sst s10  }
0x35: {  	s10 =	sld [smem:$0x3FB2];
	_ =	sdelay $0x3  }
0x36: {  	p1 =	seq.s32 s10, $0x1;
	s10 =	sld [smem:$0x3FB3];
	_ =	sdelay $0x3  }
0x37: {  	[smem:$0x3FB3] =	sst s10  }
0x38: {  	s10 =	sld [smem:$0x3FB4]  }
0x39: {  	_ = 	snop;
	(pc) =	sbr.ind lr, $3  }
0x3a: {  	_ = 	snop  }
0x3b: {  	_ = 	snop  }
0x3c: {  	p2 =	seq.s32 s10, $0x1;
	s10 =	sld [smem:$0x3FB3]  }
0x3d: {  	_ =	shalt  }
0x3e: {  	_ =	shalt  }
0x3f: {  	_ =	shalt  }
0x40: {  	_ =	shalt  }
0x41: {  	_ =	shalt  }
0x42: {  	_ =	shalt  }
0x43: {  	_ =	shalt  }
0x44: {  	_ =	shalt  }
0x45: {  	_ =	shalt  }
0x46: {  	_ =	shalt  }
0x47: {  	_ =	shalt  }
0x48: {  	_ =	shalt  }
0x49: {  	_ =	shalt  }
0x4a: {  	_ =	shalt  }
0x4b: {  	_ =	shalt  }
0x4c: {  	_ =	shalt  }
0x4d: {  	_ =	shalt  }
0x4e: {  	_ =	shalt  }
0x4f: {  	_ =	shalt  }
0x50: {  	_ =	shalt  }
0x51: {  	_ =	shalt  }
0x52: {  	_ =	shalt  }
0x53: {  	_ =	shalt  }
0x54: {  	_ =	shalt  }
0x55: {  	_ =	shalt  }
0x56: {  	_ =	shalt  }
0x57: {  	_ =	shalt  }
0x58: {  	_ =	shalt  }
0x59: {  	_ =	shalt  }
0x5a: {  	_ =	shalt  }
0x5b: {  	_ =	shalt  }
0x5c: {  	_ =	shalt  }
0x5d: {  	_ =	shalt  }
0x5e: {  	_ =	shalt  }
0x5f: {  	_ =	shalt  }
0x60: {  	_ =	shalt  }
0x61: {  	_ =	shalt  }
0x62: {  	_ =	shalt  }
0x63: {  	_ =	shalt  }
0x64: {  	_ =	shalt  }
0x65: {  	_ =	shalt  }
0x66: {  	_ =	shalt  }
0x67: {  	_ =	shalt  }
0x68: {  	_ =	shalt  }
0x69: {  	_ =	shalt  }
0x6a: {  	_ =	shalt  }
0x6b: {  	_ =	shalt  }
0x6c: {  	_ =	shalt  }
0x6d: {  	_ =	shalt  }
0x6e: {  	_ =	shalt  }
0x6f: {  	_ =	shalt  }
0x70: {  	_ =	shalt  }
0x71: {  	_ =	shalt  }
0x72: {  	_ =	shalt  }
0x73: {  	_ =	shalt  }
0x74: {  	_ =	shalt  }
0x75: {  	_ =	shalt  }
0x76: {  	_ =	shalt  }
0x77: {  	_ =	shalt  }
0x78: {  	_ =	shalt  }
0x79: {  	_ =	shalt  }
0x7a: {  	_ =	shalt  }
0x7b: {  	_ =	shalt  }
0x7c: {  	_ =	shalt  }
0x7d: {  	_ =	shalt  }
0x7e: {  	_ =	shalt  }
0x7f: {  	_ =	shalt  }
0x80: {  	_ =	shalt  }
0x81: {  	_ =	shalt  }
0x82: {  	_ =	shalt  }
0x83: {  	_ =	shalt  }
0x84: {  	_ =	shalt  }
0x85: {  	_ =	shalt  }
0x86: {  	_ =	shalt  }
0x87: {  	_ =	shalt  }
.Lfunc_end0:
.L_simem_size_0:
called_computation.3_lowered:
.L_overlay_start_0:
0x88: {  	s2 =	sld [smem:$0x3FD9]  }
0x89: {  	s3 =	sld [smem:$0x3FFE];
	_ =	sdelay $0x1  }
0x8a: {  	s1 =	srdreg.scid  }
0x8b: {  	s0 =	sand.u32 $0x1, s1  }
0x8c: {  	s17 =	sshll.u32 s0, $0xA;
	s2 =	sadd.s32 s3, s2  }
0x8d: {  	s2 =	sadd.s32 s2, s17  }
0x8e: {  	[smem:$0x3FBF] =	sst s2  }
0x8f: {  	_ = 	snop  }
0x90: {  	s18 =	sld [smem:$0x3FD0];
	(tm) =	ssettm $0x1  }
0x91: {  	s19 =	sld [smem:$0x3FFB];
	_ =	sdelay $0x3  }
0x92: {  	_ =	strace s19  }
0x93: {  	s2 =	sld [smem:$0x3FFC];
	_ =	sdelay $0x3  }
0x94: {  	_ =	strace s2  }
0x95: {  	s2 =	sld [smem:$0x3FFD];
	_ =	sdelay $0x3  }
0x96: {  	_ =	strace s2  }
0x97: {  	_ =	strace $0x8FFFFFFF  }
0x98: {  	s20 =	sld [smem:$0x3FDB];
	_ =	sdelay $0x1  }
0x99: {  	s4 =	simm.s32 $_scs_section_size  }
0x9a: {  	s5 =	simm.s32 $_size__tile_overlayer_lowered;
	s6 =	simm.s32 $_tile_overlayer_lowered  }
0x9b: {  	s7 =	simm.s32 $0x1BFF;
	s21 =	sshll.u32 s6, $0x1;
	s4 =	sadd.s32 s4, s20  }
0x9c: {  	s22 =	simm.s32 $0x0;
	s5 =	sshll.u32 s5, $0x1;
	s6 =	sadd.s32 s21, s4  }
0x9d: {  	[timem:s22], [sflag:s7] =	dma.local [hbm:s6], s5  }
0x9e: {  	_ =	swait.ge [sflag:s7], s5  }
0x9f: {  	s5 =	ssub.s32 $0x0, s5;
	[sflag:s7] =	ssyncset.done $0x0  }
0xa0: {  	[sflag:s7] =	ssyncadd.s32 s5;
	_ =	sdelay $0x1  }
0xa1: {  	s23 =	simm.s32 $0x1B8B  }
0xa2: {  	_ =	swait.ge [sflag:s23], $0x1  }
0xa3: {  	[sflag:s23] =	ssyncset.done $0x0  }
0xa4: {  	[sflag:s23] =	ssyncadd.s32 $0xFFFFFFFF  }
0xa5: {  	s5 =	sld [smem:$0x0]  }
0xa6: {  	s6 =	sand.u32 $0xFFFFFFFE, s1  }
0xa7: {  	p0 =	sne.s32 s1, s6  }
0xa8: {  	s6 =	sshll.u32 @p0 s6, $0xE  }
0xa9: {  	s6 =	sadd.s32 @p0 $0x11B8D, s6;
	s7 =	sshll.u32 @p0 s5, $0x11  }
0xaa: {  	s6 =	sor.u32 @p0 s7, s6  }
0xab: {  	[sflag:s6] =	ssyncadd.remote.s32 @p0 $0x1;
	_ =	sdelay $0x1  }
0xac: {  	s6 =	simm.s32 @p0 $0x1B8D  }
0xad: {  	_ =	swait.eq @p0 [sflag:s6], $0x1  }
0xae: {  	[sflag:s6] =	ssyncadd.s32 @p0 $0xFFFFFFFF  }
0xaf: {  	s7 =	sshll.u32 @!p0 s1, $0xE  }
0xb0: {  	s7 =	sor.u32 @!p0 $0x4000, s7;
	s6 =	simm.s32 @!p0 $0x1B8D  }
0xb1: {  	s5 =	sshll.u32 @!p0 s5, $0x11;
	s7 =	sadd.s32 @!p0 $0x11B8D, s7;
	_ =	swait.eq @!p0 [sflag:s6], $0x1  }
0xb2: {  	s5 =	sor.u32 @!p0 s5, s7;
	[sflag:s6] =	ssyncadd.s32 @!p0 $0xFFFFFFFF  }
0xb3: {  	s25 =	simm.s32 $0x1B8E;
	s24 =	sld [smem:$0x3FFE];
	[sflag:s5] =	ssyncadd.remote.s32 @!p0 $0x1  }
0xb4: {  	s26 =	simm.s32 $execute0_lowered;
	[smem:$0x3FD2] =	sst s25  }
0xb5: {  	s6 =	sshll.u32 s26, $0x1;
	_ =	strace $0x8000004F;
	[dreg:$0x1] =	wrdreg $0xFFFFFFFF  }
0xb6: {  	s28 =	simm.s32 $_size_execute0_lowered;
	s4 =	sadd.s32 s4, s6;
	[dreg:$0x0] =	wrdreg $0x0  }
0xb7: {  	s6 =	sshll.u32 s28, $0x1;
	[dreg:$0x2] =	wrdreg s4  }
0xb8: {  	[dreg:$0x3] =	wrdreg s6  }
0xb9: {  	[dreg:$0x4] =	wrdreg $0xC0  }
0xba: {  	_ =	task [dreg:s22], $0x5FFFF  }
0xbb: {  	[dreg:$0x1] =	wrdreg $0xFFFFFFFF  }
0xbc: {  	[dreg:$0x0] =	wrdreg $0x60  }
0xbd: {  	[dreg:$0x2] =	wrdreg s24  }
0xbe: {  	[dreg:$0x3] =	wrdreg s18  }
0xbf: {  	[dreg:$0x4] =	wrdreg $0xA  }
0xc0: {  	_ =	task.clear_ibuf [dreg:s22], $0x5FFFF;
	_ =	strace $0x9000004F  }
0xc1: {  	s29 =	simm.s32 $0xA;
	_ =	strace $0x80000051  }
0xc2: {  	_ =	swait.ge [sflag:s29], $0x1  }
0xc3: {  	[sflag:s29] =	ssyncadd.s32 $0xFFFFFFFF  }
0xc4: {  	_ =	strace $0x90000051  }
0xc5: {  	_ =	sfence  }
0xc6: {  	s30 =	sld [smem:$0x0];
	_ =	sdelay $0x2  }
0xc7: {  	s31 =	sshll.u32 s1, $0xD;
	s1 =	sshrl.u32 s1, $0x2  }
0xc8: {  	s4 =	sand.u32 $0x4000, s31;
	s1 =	sadd.s32 s1, s30  }
0xc9: {  	s0 =	sor.u32 s4, s0;
	s1 =	sshll.u32 s1, $0x11  }
0xca: {  	s0 =	sor.u32 s1, s0  }
0xcb: {  	s0 =	sadd.s32 $0x8F2B, s0  }
0xcc: {  	[sflag:s0] =	ssyncadd.remote.s32 $0x1  }
0xcd: {  	_ =	sfence.sel $0xFFFF  }
0xce: {  	[dreg:$0x0] =	wrdreg $0xFFFFFFFF;
	(pc) =	sbr.abs _section_cstart, $3  }
0xcf: {  	[dreg:$0x1] =	wrdreg $0xFFFFFFFF  }
0xd0: {  	_ =	task.clear_ibuf [dreg:s22], $0x2FFFF;
	_ =	strace $0x9FFFFFFF  }
0xd1: {  	(tm) =	ssettm $0x7FFFFFFF  }
tec
execute0_lowered:
.L_overlay_start_1:
0x0: {  	(tag) =	ssettag $0x1  }
0x1: {  	s7 =	rddreg [dreg:$0x0]  }
0x2: {  	s2 =	rddreg [dreg:$0x1]  }
0x3: {  	s0 =	rddreg [dreg:$0x2]  }
0x4: {  	s1 =	srdreg.scid;
	_ =	strace $0x80000050;
	s4 =	simm.s32 $0x1  }
0x5: {  	s9 =	simm.s32 $0x3;
	s11 =	simm.s32 $0x0;
	s5 =	sshll.u32 s1, $0x4  }
.Ltmp0:
0x6: {  	s1 =	stileid.u32;
	s5 =	sand.u32 $0x10, s5;
	(pc) =	sbr.rel .LBB2_1-.Ltmp0, $4  }
0x7: {  	p0 =	por $0x0, $0x0;
	s3 =	sadd.s32 $0xC9C00, s7;
	s6 =	sor.u32 s1, s5  }
0x8: {  	[sflag:s4] =	ssyncpa.u1 $0x0;
	s5 =	simm.s32 $0x2;
	s6 =	sshll.u32 s6, $0x6  }
0x9: {  	s7 =	sadd.s32 $0x9A00, s7;
	[sflag:s5] =	ssyncpa.u1 $0x0;
	s8 =	sadd.s32 $0x40, s6  }
0xa: {  	vm0 =	vmmov $0xff;
	vm1 =	vcmask $0x3F20;
	[sflag:s9] =	ssyncpa.u1 $0x0;
	s10 =	smov.u32 s6;
	s9 =	simm.s32 $0x0  }
.LBB2_9:
0xb: {  	p1 =	slt.u32 s9, $0x2;
	s11 =	sadd.s32 $0x20, s10  }
0xc: {  	s13 =	smov.u32 s6;
	s9 =	sadd.s32 $0x1, s9;
	p2 =	slt.s32 s11, s8  }
0xd: {  	s13 =	smov.u32 @p2 s11;
	p2 =	sne.s32 s9, $0x4  }
.Ltmp1:
0xe: {  	_ = 	snop;
	(pc) =	sbr.rel @!p2 .LBB2_10-.Ltmp1, $4  }
0xf: {  	s12 =	simm.s32 @!p1 $0x3  }
0x10: {  	_ =	swait.ge @!p1 [sflag:s12], $0x8000  }
0x11: {  	p0 =	por !p0, !p0;
	[sflag:s12] =	ssyncset.done @!p1 $0x0  }
0x12: {  	s11 =	smov.u32 s10;
	s10 =	smov.u32 s13;
	[sflag:s12] =	ssyncadd.s32 @!p1 $0xFFFF8000  }
.LBB2_1:
0x13: {  	p1 =	sgt.u32 s9, $0x1  }
0x14: {  	s12 =	sshll.u32 @!p1 s9, $0x5;
	s13 =	sshrl.u32 @!p1 s10, $0x3  }
0x15: {  	s14 =	sand.u32 @!p1 $0x7, s10;
	s12 =	sxor.u32 @!p1 $0x20, s12;
	s13 =	sadd.s32 @!p1 s7, s13  }
0x16: {  	[tilespmem:s12], [sflag:$0x2] =	stream.linear.gather @!p1 [hbm4b:s13+s14], $0x20, $0x38;
	[tilespmem:$0x10040] =	vst v63  }
0x17: {  	p1 =	seq.s32 s9, $0x0  }
0x18: {  	p2 =	seq.s32 @!p1 s9, $0x3  }
0x19: {  	p1 =	por p1, p2  }
.Ltmp2:
0x1a: {  	_ = 	snop;
	(pc) =	sbr.rel @p1 .LBB2_9-.Ltmp2, $1  }
0x1b: {  	_ =	sdelay $0x3  }
0x1c: {  	s12 =	simm.s32 $0x1  }
0x1d: {  	_ =	swait.ge [sflag:s5], $0x20;
	s13 =	sand.u32 $0x1, s9;
	s12 =	simm.s32 @!p0 $0x0  }
0x1e: {  	s15 =	simm.s32 $0x0;
	p2 =	por $0x1, $0x1;
	s12 =	sshll.u32 s12, $0x11  }
0x1f: {  	[sflag:s5] =	ssyncset.done $0x0;
	s13 =	sshll.u32 s13, $0x5;
	s14 =	sshrl.u32 s12, $0x2  }
0x20: {  	[sflag:s5] =	ssyncadd.s32 $0xFFFFFFE0;
	s12 =	sor.u32 $0x40, s14;
	s14 =	sadd.s32 $0x40, s14  }
.LBB2_3:
0x21: {  	s16 =	sshll.u32 s15, $0x4  }
0x22: {  	s16 =	sand.u32 $0x3FFFFFF0, s16  }
0x23: {  	s16 =	sadd.s32 s16, s13  }
0x24: {  	v0 =	vld.msk [tilespmem:s16+$0x0 ss:$0x1], $0xffff;
	_ =	sdelay $0x4  }
0x25: {  	vm2 =	vgt.s32 v0, $0x0  }
0x26: {  	v0 =	vnsel vm2, $0x0, v0  }
0x27: {  	v0 =	vmin.u32 v0, $0x17FF  }
0x28: {  	v1 =	vshll.u32 v0, $0x7;
	v0 =	vshll.u32 v0, $0x4  }
0x29: {  	v1 =	vand.u32 $0xFFC00, v1;
	v0 =	vand.u32 $0x70, v0  }
0x2a: {  	v0 =	vor.u32 v0, v1  }
0x2b: {  	s31 =	sshll.u32 s15, $0x10  }
0x2c: {  	s15 =	sshra.s32 s31, $0x2  }
0x2d: {  	s15 =	sadd.s32 s15, s14  }
0x2e: {  	s17 =	sadd.s32 $0x0, s15  }
0x2f: {  	[tilespmem:s17], [sflag:$0x1] =	stream.indirect_vreg.gather [hbm:s3], $0x80, v0, vm0, $0x38;
	[tilespmem:$0x10040] =	vst v63  }
0x30: {  	p1 =	por p2, p2;
	s16 =	simm.s32 $0x1000;
	v1 =	vadd.s32 $0x80, v0;
	s17 =	sadd.s32 $0x2000, s17  }
.LBB2_4:
0x31: {  	[tilespmem:s17], [sflag:$0x1] =	stream.indirect_vreg.gather [hbm:s3], $0x80, v0, vm1, $0x38;
	[tilespmem:$0x10040] =	vst v63  }
0x32: {  	v0 =	vmov v1;
	s17 =	smov.u32 s16;
	p2 =	sne.s32 s16, $0x7000  }
.Ltmp3:
0x33: {  	s16 =	sadd.s32 $0x1000, s16;
	(pc) =	sbr.rel @p2 .LBB2_4-.Ltmp3, $4  }
0x34: {  	s17 =	sshra.s32 s17, $0x2  }
0x35: {  	s17 =	sadd.s32 s17, s15  }
0x36: {  	[tilespmem:s17], [sflag:$0x1] =	stream.indirect_vreg.gather [hbm:s3], $0x80, v1, vm0, $0x38;
	[tilespmem:$0x10040] =	vst v63  }
0x37: {  	s17 =	sadd.s32 $0x2000, s17;
	v1 =	vadd.s32 $0x80, v1  }
0x38: {  	_ = 	snop  }
.Ltmp4:
0x39: {  	_ = 	snop;
	(pc) =	sbr.rel @p1 .LBB2_3-.Ltmp4, $3  }
0x3a: {  	_ =	sdelay $0x1  }
0x3b: {  	[tilespmem:s17], [sflag:$0x1] =	stream.indirect_vreg.gather [hbm:s3], $0x80, v0, vm1, $0x38;
	[tilespmem:$0x10040] =	vst v63  }
0x3c: {  	s15 =	simm.s32 $0x1;
	p2 =	por $0x0, $0x0  }
0x3d: {  	s13 =	sshll.u32 s11, $0x7  }
0x3e: {  	s31 =	sshll.u32 s11, $0x4;
	s13 =	sand.u32 $0xFFFFFC00, s13  }
0x3f: {  	_ =	swait.ge [sflag:s4], $0x8000;
	s11 =	sand.u32 $0x70, s31;
	s13 =	sadd.s32 s13, s2  }
0x40: {  	s14 =	sadd.s32 $0x2000, s12;
	[sflag:s4] =	ssyncset.done $0x0;
	s11 =	sadd.s32 s11, s13  }
0x41: {  	[sflag:s4] =	ssyncadd.s32 $0xFFFF8000;
	s13 =	simm.s32 $0x400;
	s15 =	sadd.s32 $0x0, s11  }
.LBB2_7:
0x42: {  	[hbm:s15] =	stream.linear.scatter [tilespmem:s12], [sflag:$0x3], $0x2000, $0x38;
	[tilespmem:$0x10040] =	vst v63  }
0x43: {  	s15 =	smov.u32 s13;
	s12 =	smov.u32 s14;
	p1 =	sne.s32 s13, $0xC00  }
.Ltmp5:
0x44: {  	s13 =	sadd.s32 $0x400, s13;
	(pc) =	sbr.rel @p1 .LBB2_7-.Ltmp5, $2  }
0x45: {  	_ =	sdelay $0x2  }
0x46: {  	s14 =	sadd.s32 $0x2000, s14;
	s15 =	sadd.s32 s15, s11  }
.Ltmp6:
0x47: {  	(pc) =	sbr.rel .LBB2_9-.Ltmp6, $2  }
0x48: {  	_ =	sdelay $0x2  }
0x49: {  	[hbm:s15] =	stream.linear.scatter [tilespmem:s12], [sflag:$0x3], $0x2000, $0x38;
	[tilespmem:$0x10040] =	vst v63  }
.LBB2_10:
0x4a: {  	_ =	sfence.sel $0x180000  }
0x4b: {  	s2 =	simm.s32 $0x2;
	[bflag:$0x0] =	sbarrier.arrive $0xFFFF  }
0x4c: {  	s30 =	simm.s32 $0x3;
	[sflag:s2] =	ssyncpa.u1 $0x1  }
0x4d: {  	s31 =	simm.s32 $0x1;
	[sflag:s30] =	ssyncpa.u1 $0x1  }
0x4e: {  	[sflag:s31] =	ssyncpa.u1 $0x1  }
0x4f: {  	p0 =	sne.s32 s1, $0x0;
	_ =	strace $0x90000050  }
0x50: {  	s0 =	sadd.s32 @!p0 $0x100000, s0;
	[bflag:$0x2] =	sbarrier.arrive $0xFFFF  }
0x51: {  	[sflag:s0] =	ssyncadd.tile.s32 @!p0 $0x1;
	_ =	shalt  }
.Lfunc_end2:
_tile_overlayer_lowered:
.L_overlay_start_2:
0x52: {  	(tag) =	ssettag $0x2  }
0x53: {  	s0 =	rddreg [dreg:$0x0];
	s2 =	stileid.u32  }
0x54: {  	s1 =	rddreg [dreg:$0x1];
	p0 =	sne.s32 s2, $0x0  }
0x55: {  	s3 =	rddreg [dreg:$0x2];
	[bflag:$0x3] =	sbarrier.arrive $0xFFFF;
	s2 =	simm.s32 @!p0 $0x1C01  }
0x56: {  	[timem:s3], [sflag:s2] =	dma.local @!p0 [hbm:s0], s1  }
0x57: {  	s0 =	simm.s32 @!p0 $0x1  }
0x58: {  	_ =	swait.ge @!p0 [sflag:s0], s1  }
0x59: {  	s1 =	ssub.s32 @!p0 $0x0, s1;
	[sflag:s0] =	ssyncset.done @!p0 $0x0  }
0x5a: {  	[sflag:s0] =	ssyncadd.s32 @!p0 s1  }
0x5b: {  	[bflag:$0x3] =	sbarrier.arrive $0xFFFF  }
0x5c: {  	_ =	shalt  }

// kernel: gather_offload_async_start
scs
__scs_entry_jumppad:
0x0: {  	(pc) =	sbr.rel $0x88, $3  }
0x1: {  	(tag) =	ssettag $0x0;
	lr =	simm.s32 $0x1  }
0x2: {  	[smem:$0x3F98] =	sst lr;
	_ =	strace $0xD0000000  }
0x3: {  	_ = 	snop  }
0x4: {  	_ = 	snop  }
0x5: {  	_ = 	snop  }
0x6: {  	_ = 	snop  }
0x7: {  	_ = 	snop  }
__scs_overlays_trampoline_lowered:
0x8: {  	[smem:$0x3FA7] =	sst s0  }
0x9: {  	[smem:$0x3FA8] =	sst s1  }
0xa: {  	[smem:$0x3FA9] =	sst s2  }
0xb: {  	[smem:$0x3FAA] =	sst s3  }
0xc: {  	[smem:$0x3FAB] =	sst s4  }
0xd: {  	[smem:$0x3FAC] =	sst s5  }
0xe: {  	[smem:$0x3FAD] =	sst s6  }
0xf: {  	[smem:$0x3FAE] =	sst s7  }
0x10: {  	[smem:$0x3FAF] =	sst s8  }
0x11: {  	[smem:$0x3FB0] =	sst s9;
	s0 =	simm.s32 @!p0 $0x0  }
0x12: {  	s1 =	sld [smem:$0x3F96];
	s0 =	simm.s32 @p0 $0x1  }
0x13: {  	[smem:$0x3FB1] =	sst s0;
	s0 =	simm.s32 @!p1 $0x0  }
0x14: {  	s2 =	sld [smem:$0x3F95];
	s0 =	simm.s32 @p1 $0x1  }
0x15: {  	[smem:$0x3FB2] =	sst s0;
	s0 =	simm.s32 @!p2 $0x0  }
0x16: {  	s3 =	sld [smem:$0x3FDB];
	s0 =	simm.s32 @p2 $0x1  }
0x17: {  	s4 =	simm.s32 $0x1BF5;
	[smem:$0x3FB4] =	sst s0  }
0x18: {  	s0 =	sld [smem:$0x3F97];
	_ =	swait.ge [sflag:s4], $0x0  }
0x19: {  	s7 =	sld [smem:$0x3F98]  }
0x1a: {  	s8 =	sadd.s32 $0xFFFFE003, lr  }
0x1b: {  	s9 =	sadd.s32 $0xFFFFFEF7, lr;
	s5 =	simm.s32 $0xFFFFFFFF;
	p2 =	slt.u32 s8, $0xFFFFF086  }
0x1c: {  	p1 =	slt.u32 s9, $0xF7A;
	s5 =	simm.s32 @!p2 $0x0  }
0x1d: {  	s5 =	simm.s32 @p1 $0x1;
	p0 =	seq.s32 s7, s2  }
0x1e: {  	s7 =	smul.u32 @!p0 $0xF7A, s2;
	p2 =	seq.s32 @!p0 s5, $0x0  }
0x1f: {  	s9 =	smul.u32 $0xF7A, s1;
	s8 =	simm.s32 @!p0 $0x1BF5;
	p2 =	por !p2, p0  }
0x20: {  	[sflag:s8] =	ssyncset.s32 @!p0 $0xFFFFF086;
	s6 =	sadd.s32 @!p0 s3, s7;
	s7 =	simm.s32 @!p0 $0x108  }
0x21: {  	s3 =	sadd.s32 s3, s9;
	s6 =	sadd.s32 @!p0 $0x88, s6;
	s7 =	simm.s32 @p2 $0x1082  }
0x22: {  	[simem:s7], [sflag:s8] =	dma.local @!p0 [hbm:s6], $0xF7A  }
0x23: {  	s9 =	sor.u32 $0xD0000000, s2;
	s6 =	simm.s32 $0x108;
	_ =	swait.ge @!p0 [sflag:s8], $0x0  }
0x24: {  	s3 =	sadd.s32 $0x88, s3;
	s6 =	simm.s32 @!p1 $0x1082;
	[sflag:s4] =	ssyncset.s32 $0xFFFFF086  }
0x25: {  	[simem:s6], [sflag:s4] =	dma.local [hbm:s3], $0xF7A  }
0x26: {  	[smem:$0x3F98] =	sst s1;
	(tag) =	ssettag s2;
	_ =	strace s9  }
0x27: {  	s1 =	sld [smem:$0x3FA8]  }
0x28: {  	s2 =	sld [smem:$0x3FA9]  }
0x29: {  	s4 =	sld [smem:$0x3FAB]  }
0x2a: {  	p0 =	seq.s32 s5, $0x0;
	s5 =	sld [smem:$0x3FAC]  }
0x2b: {  	s6 =	sld [smem:$0x3FAD]  }
0x2c: {  	s7 =	sld [smem:$0x3FAE]  }
0x2d: {  	s3 =	simm.s32 $0x108;
	s8 =	sld [smem:$0x3FAF]  }
0x2e: {  	s3 =	simm.s32 @!p0 $0x1082;
	s9 =	sld [smem:$0x3FB0]  }
0x2f: {  	lr =	sadd.s32 s0, s3;
	s0 =	sld [smem:$0x3FA7]  }
0x30: {  	s3 =	sld [smem:$0x3FAA]  }
0x31: {  	[smem:$0x3FB3] =	sst s10  }
0x32: {  	s10 =	sld [smem:$0x3FB1];
	_ =	sdelay $0x3  }
0x33: {  	p0 =	seq.s32 s10, $0x1;
	s10 =	sld [smem:$0x3FB3];
	_ =	sdelay $0x3  }
0x34: {  	[smem:$0x3FB3] =	sst s10  }
0x35: {  	s10 =	sld [smem:$0x3FB2];
	_ =	sdelay $0x3  }
0x36: {  	p1 =	seq.s32 s10, $0x1;
	s10 =	sld [smem:$0x3FB3];
	_ =	sdelay $0x3  }
0x37: {  	[smem:$0x3FB3] =	sst s10  }
0x38: {  	s10 =	sld [smem:$0x3FB4]  }
0x39: {  	_ = 	snop;
	(pc) =	sbr.ind lr, $3  }
0x3a: {  	_ = 	snop  }
0x3b: {  	_ = 	snop  }
0x3c: {  	p2 =	seq.s32 s10, $0x1;
	s10 =	sld [smem:$0x3FB3]  }
0x3d: {  	_ =	shalt  }
0x3e: {  	_ =	shalt  }
0x3f: {  	_ =	shalt  }
0x40: {  	_ =	shalt  }
0x41: {  	_ =	shalt  }
0x42: {  	_ =	shalt  }
0x43: {  	_ =	shalt  }
0x44: {  	_ =	shalt  }
0x45: {  	_ =	shalt  }
0x46: {  	_ =	shalt  }
0x47: {  	_ =	shalt  }
0x48: {  	_ =	shalt  }
0x49: {  	_ =	shalt  }
0x4a: {  	_ =	shalt  }
0x4b: {  	_ =	shalt  }
0x4c: {  	_ =	shalt  }
0x4d: {  	_ =	shalt  }
0x4e: {  	_ =	shalt  }
0x4f: {  	_ =	shalt  }
0x50: {  	_ =	shalt  }
0x51: {  	_ =	shalt  }
0x52: {  	_ =	shalt  }
0x53: {  	_ =	shalt  }
0x54: {  	_ =	shalt  }
0x55: {  	_ =	shalt  }
0x56: {  	_ =	shalt  }
0x57: {  	_ =	shalt  }
0x58: {  	_ =	shalt  }
0x59: {  	_ =	shalt  }
0x5a: {  	_ =	shalt  }
0x5b: {  	_ =	shalt  }
0x5c: {  	_ =	shalt  }
0x5d: {  	_ =	shalt  }
0x5e: {  	_ =	shalt  }
0x5f: {  	_ =	shalt  }
0x60: {  	_ =	shalt  }
0x61: {  	_ =	shalt  }
0x62: {  	_ =	shalt  }
0x63: {  	_ =	shalt  }
0x64: {  	_ =	shalt  }
0x65: {  	_ =	shalt  }
0x66: {  	_ =	shalt  }
0x67: {  	_ =	shalt  }
0x68: {  	_ =	shalt  }
0x69: {  	_ =	shalt  }
0x6a: {  	_ =	shalt  }
0x6b: {  	_ =	shalt  }
0x6c: {  	_ =	shalt  }
0x6d: {  	_ =	shalt  }
0x6e: {  	_ =	shalt  }
0x6f: {  	_ =	shalt  }
0x70: {  	_ =	shalt  }
0x71: {  	_ =	shalt  }
0x72: {  	_ =	shalt  }
0x73: {  	_ =	shalt  }
0x74: {  	_ =	shalt  }
0x75: {  	_ =	shalt  }
0x76: {  	_ =	shalt  }
0x77: {  	_ =	shalt  }
0x78: {  	_ =	shalt  }
0x79: {  	_ =	shalt  }
0x7a: {  	_ =	shalt  }
0x7b: {  	_ =	shalt  }
0x7c: {  	_ =	shalt  }
0x7d: {  	_ =	shalt  }
0x7e: {  	_ =	shalt  }
0x7f: {  	_ =	shalt  }
0x80: {  	_ =	shalt  }
0x81: {  	_ =	shalt  }
0x82: {  	_ =	shalt  }
0x83: {  	_ =	shalt  }
0x84: {  	_ =	shalt  }
0x85: {  	_ =	shalt  }
0x86: {  	_ =	shalt  }
0x87: {  	_ =	shalt  }
.Lfunc_end0:
.L_simem_size_0:
called_computation_lowered:
.L_overlay_start_0:
0x88: {  	s2 =	sld [smem:$0x3FD9]  }
0x89: {  	s3 =	sld [smem:$0x3FFE];
	_ =	sdelay $0x1  }
0x8a: {  	s1 =	srdreg.scid  }
0x8b: {  	s0 =	sand.u32 $0x1, s1  }
0x8c: {  	s17 =	sshll.u32 s0, $0xA;
	s2 =	sadd.s32 s3, s2  }
0x8d: {  	s2 =	sadd.s32 s2, s17  }
0x8e: {  	[smem:$0x3FBF] =	sst s2  }
0x8f: {  	_ = 	snop  }
0x90: {  	s2 =	sld [smem:$0x3FD0];
	(tm) =	ssettm $0x1  }
0x91: {  	s18 =	sld [smem:$0x3FFB];
	_ =	sdelay $0x3  }
0x92: {  	_ =	strace s18  }
0x93: {  	s3 =	sld [smem:$0x3FFC];
	_ =	sdelay $0x3  }
0x94: {  	_ =	strace s3  }
0x95: {  	s3 =	sld [smem:$0x3FFD];
	_ =	sdelay $0x3  }
0x96: {  	_ =	strace s3  }
0x97: {  	_ =	strace $0x8FFFFFFF  }
0x98: {  	s19 =	sld [smem:$0x3FDB];
	_ =	sdelay $0x1  }
0x99: {  	s4 =	simm.s32 $_scs_section_size  }
0x9a: {  	s5 =	simm.s32 $_size__tile_overlayer_lowered;
	s6 =	simm.s32 $_tile_overlayer_lowered  }
0x9b: {  	s22 =	simm.s32 $0x1BFF;
	s21 =	sshll.u32 s6, $0x1;
	s3 =	sadd.s32 s4, s19  }
0x9c: {  	s7 =	simm.s32 $0x0;
	s20 =	sshll.u32 s5, $0x1;
	s5 =	sadd.s32 s21, s3  }
0x9d: {  	[timem:s7], [sflag:s22] =	dma.local [hbm:s5], s20  }
0x9e: {  	_ =	swait.ge [sflag:s22], s20  }
0x9f: {  	s4 =	ssub.s32 $0x0, s20;
	[sflag:s22] =	ssyncset.done $0x0  }
0xa0: {  	[sflag:s22] =	ssyncadd.s32 s4;
	_ =	sdelay $0x1  }
0xa1: {  	s23 =	simm.s32 $0x1B8B  }
0xa2: {  	_ =	swait.ge [sflag:s23], $0x1  }
0xa3: {  	[sflag:s23] =	ssyncset.done $0x0  }
0xa4: {  	s25 =	simm.s32 $0x1B8E;
	s24 =	sld [smem:$0x3FFE];
	[sflag:s23] =	ssyncadd.s32 $0xFFFFFFFF  }
0xa5: {  	s26 =	simm.s32 $execute0_lowered;
	[smem:$0x3FD2] =	sst s25  }
0xa6: {  	s5 =	sshll.u32 s26, $0x1;
	_ =	strace $0x80000046;
	[dreg:$0x1] =	wrdreg $0xFFFFFFFF  }
0xa7: {  	s28 =	simm.s32 $_size_execute0_lowered;
	s3 =	sadd.s32 s3, s5;
	[dreg:$0x0] =	wrdreg $0x0  }
0xa8: {  	s5 =	sshll.u32 s28, $0x1;
	[dreg:$0x2] =	wrdreg s3  }
0xa9: {  	[dreg:$0x3] =	wrdreg s5  }
0xaa: {  	[dreg:$0x4] =	wrdreg $0xC0  }
0xab: {  	_ =	task [dreg:s7], $0x5FFFF  }
0xac: {  	[dreg:$0x1] =	wrdreg $0xFFFFFFFF  }
0xad: {  	[dreg:$0x0] =	wrdreg $0x60  }
0xae: {  	[dreg:$0x2] =	wrdreg s2  }
0xaf: {  	[dreg:$0x3] =	wrdreg s24  }
0xb0: {  	[dreg:$0x4] =	wrdreg $0x9  }
0xb1: {  	_ =	task.clear_ibuf [dreg:s7], $0x5FFFF;
	_ =	strace $0x90000046  }
0xb2: {  	s29 =	simm.s32 $0x9;
	_ =	strace $0x80000048  }
0xb3: {  	_ =	swait.ge [sflag:s29], $0x1  }
0xb4: {  	[sflag:s29] =	ssyncadd.s32 $0xFFFFFFFF  }
0xb5: {  	_ =	strace $0x90000048  }
0xb6: {  	_ =	sfence  }
0xb7: {  	s30 =	sld [smem:$0x0];
	_ =	sdelay $0x2  }
0xb8: {  	s31 =	sshll.u32 s1, $0xD;
	s1 =	sshrl.u32 s1, $0x2  }
0xb9: {  	s3 =	sand.u32 $0x4000, s31;
	s1 =	sadd.s32 s1, s30  }
0xba: {  	s0 =	sor.u32 s3, s0;
	s1 =	sshll.u32 s1, $0x11  }
0xbb: {  	s0 =	sor.u32 s1, s0  }
0xbc: {  	s0 =	sadd.s32 $0x8F2B, s0  }
0xbd: {  	[sflag:s0] =	ssyncadd.remote.s32 $0x1  }
0xbe: {  	_ =	sfence.sel $0xFFFF  }
0xbf: {  	[dreg:$0x0] =	wrdreg $0xFFFFFFFF;
	(pc) =	sbr.abs _section_cstart, $3  }
0xc0: {  	[dreg:$0x1] =	wrdreg $0xFFFFFFFF  }
0xc1: {  	_ =	task.clear_ibuf [dreg:s7], $0x2FFFF;
	_ =	strace $0x9FFFFFFF  }
0xc2: {  	(tm) =	ssettm $0x7FFFFFFF  }
0xc3: {  	_ =	shalt  }
tec
execute0_lowered:
.L_overlay_start_1:
0x0: {  	(tag) =	ssettag $0x1  }
0x1: {  	s1 =	srdreg.scid;
	s2 =	rddreg [dreg:$0x0]  }
0x2: {  	s0 =	stileid.u32;
	s5 =	rddreg [dreg:$0x1];
	s6 =	simm.s32 $0x1  }
0x3: {  	s9 =	simm.s32 $0x1;
	s10 =	simm.s32 $0x3;
	s1 =	sshll.u32 s1, $0x6  }
0x4: {  	s13 =	simm.s32 $0x0;
	s3 =	sshll.u32 s0, $0x7;
	s4 =	sand.u32 $0x40, s1  }
0x5: {  	s12 =	simm.s32 $0x0;
	s1 =	rddreg [dreg:$0x2];
	s3 =	sor.u32 s3, s4  }
0x6: {  	_ =	strace $0x80000047;
	s4 =	sadd.s32 $0x9400, s5;
	s8 =	ssub.s32 $0x1000, s3  }
.Ltmp0:
0x7: {  	s5 =	sadd.s32 $0x9800, s5;
	s7 =	sand.u32 $0x7C0, s8;
	(pc) =	sbr.rel .LBB2_1-.Ltmp0, $4  }
0x8: {  	[sflag:s6] =	ssyncpa.u1 $0x0;
	s11 =	smov.u32 s3;
	p0 =	sne.s32 s7, $0x0  }
0x9: {  	s8 =	sshrl.u32 s8, $0xB;
	s7 =	simm.s32 $0x2;
	s9 =	simm.s32 @!p0 $0x0  }
0xa: {  	[sflag:s7] =	ssyncpa.u1 $0x0;
	p0 =	por $0x0, $0x0;
	s8 =	sadd.s32 s9, s8  }
0xb: {  	vm0 =	vmmov $0xffff;
	[sflag:s10] =	ssyncpa.u1 $0x0;
	s10 =	simm.s32 $0x0;
	s9 =	sadd.s32 $0x1, s8  }
.LBB2_4:
0xc: {  	v5 =	vshrl.u32 v1, $0xC;
	v6 =	vshll.u32 v1, $0x7  }
0xd: {  	vm1 =	veq.s32 v1, $0x80000000;
	v58 =	vand.u32 $0xF, v5;
	v59 =	vand.u32 $0x7FF80, v6  }
0xe: {  	v1 =	vsel vm1, $0xFFFFFFFF, v58;
	v5 =	vsel vm1, $0xFFFFFF80, v59  }
0xf: {  	v3 =	vor.u32 v4, v3;
	v60 =	vand.u32 $0xFFFFFC00, v5;
	v61 =	vand.u32 $0xFFFFFC00, v1  }
0x10: {  	v2 =	vor.u32 v2, v3;
	v63 =	vand.u32 $0x380, v5;
	v62 =	vadd.s32 v61, v60  }
0x11: {  	v1 =	vand.u32 $0x7F, v1;
	v3 =	vor.u32 v63, v62  }
0x12: {  	v1 =	vor.u32 v1, v3  }
0x13: {  	[tilespmem:s15], [sflag:$0x1] =	stream.indirect_vreg.gather [hbm4b:s2+s10], $0x1, v0, vm0, $0x4038;
	[tilespmem:$0x100] =	vst v63  }
0x14: {  	(ifvalue) =	ssetifvalue $0x7FFFFFFF  }
0x15: {  	[tilespmem:s16], [sflag:$0x1] =	stream.indirect_vreg.gather [hbm4b:s2+s10], $0x1, v2, vm0, $0x4038;
	[tilespmem:$0x100] =	vst v63  }
0x16: {  	s29 =	sadd.s32 $0x10, s16;
	(ifvalue) =	ssetifvalue $0x7FFFFFFF  }
0x17: {  	[tilespmem:s29], [sflag:$0x1] =	stream.indirect_vreg.gather [hbm4b:s2+s10], $0x1, v1, vm0, $0x4038;
	[tilespmem:$0x100] =	vst v63  }
0x18: {  	_ =	swait.ge [sflag:s6], $0x40  }
0x19: {  	s30 =	sshrl.u32 s13, $0x3;
	[sflag:s6] =	ssyncset.done $0x0  }
0x1a: {  	s31 =	sand.u32 $0x7, s13;
	s15 =	sadd.s32 s5, s30;
	[sflag:s6] =	ssyncadd.s32 $0xFFFFFFC0  }
0x1b: {  	[hbm4b:s15+s31] =	stream.linear.scatter [tilespmem:s14], [sflag:$0x3], $0x40, $0x38;
	[tilespmem:$0x100] =	vst v63  }
.LBB2_5:
0x1c: {  	s15 =	sadd.s32 $0x800, s11  }
0x1d: {  	p2 =	sgt.s32 s15, $0xFFF  }
0x1e: {  	s15 =	smov.u32 @p2 s3;
	p2 =	sne.s32 s12, s9  }
.Ltmp1:
0x1f: {  	p1 =	slt.u32 s12, $0x2;
	(pc) =	sbr.rel @!p2 .LBB2_6-.Ltmp1, $4  }
0x20: {  	s14 =	simm.s32 @!p1 $0x3  }
0x21: {  	s16 =	sadd.s32 $0x1, s12;
	_ =	swait.ge @!p1 [sflag:s14], $0x40  }
0x22: {  	s13 =	smov.u32 s11;
	p0 =	por !p0, !p0;
	[sflag:s14] =	ssyncset.done @!p1 $0x0  }
0x23: {  	s12 =	smov.u32 s16;
	s11 =	smov.u32 s15;
	[sflag:s14] =	ssyncadd.s32 @!p1 $0xFFFFFFC0  }
.LBB2_1:
0x24: {  	p1 =	sge.u32 s12, s8  }
0x25: {  	s14 =	sxor.u32 @!p1 $0xFFFFFFFF, s12  }
0x26: {  	s31 =	sadd.s32 $0xFFFFFFFF, s12;
	s15 =	sshrl.u32 @!p1 s11, $0x3;
	s14 =	sshll.u32 @!p1 s14, $0x6  }
0x27: {  	s16 =	sand.u32 @!p1 $0x7, s11;
	s15 =	sadd.s32 @!p1 s4, s15;
	s14 =	sand.u32 @!p1 $0x40, s14  }
0x28: {  	[tilespmem:s14], [sflag:$0x2] =	stream.linear.gather @!p1 [hbm4b:s15+s16], $0x40, $0x38;
	[tilespmem:$0x100] =	vst v63  }
0x29: {  	p1 =	sge.u32 s31, s8  }
.Ltmp2:
0x2a: {  	_ = 	snop;
	(pc) =	sbr.rel @p1 .LBB2_5-.Ltmp2, $1  }
0x2b: {  	_ =	sdelay $0x3  }
0x2c: {  	s14 =	simm.s32 $0x1  }
0x2d: {  	_ =	swait.ge [sflag:s7], $0x40;
	s14 =	simm.s32 @!p0 $0x0  }
0x2e: {  	[sflag:s7] =	ssyncset.done $0x0;
	s14 =	sshll.u32 s14, $0x6  }
0x2f: {  	[sflag:s7] =	ssyncadd.s32 $0xFFFFFFC0;
	(ifvalue) =	ssetifvalue $0x7FFFFFFF;
	v0 =	vld.msk [tilespmem:s14+$0x0 ss:$0x1], $0xffff;
	_ =	sdelay $0x4  }
0x30: {  	s15 =	sadd.s32 $0x10, s14;
	v2 =	vshrl.u32 v0, $0xC;
	v3 =	vshll.u32 v0, $0x7  }
0x31: {  	v1 =	vld.msk [tilespmem:s15+$0x0 ss:$0x1], $0xffff;
	vm1 =	veq.s32 v0, $0x80000000;
	v0 =	vand.u32 $0xF, v2;
	v2 =	vand.u32 $0x7FF80, v3  }
0x32: {  	v0 =	vsel vm1, $0xFFFFFFFF, v0;
	v2 =	vsel vm1, $0xFFFFFF80, v2  }
0x33: {  	v3 =	vand.u32 $0xFFFFFC00, v2;
	v4 =	vand.u32 $0xFFFFFC00, v0  }
0x34: {  	v2 =	vand.u32 $0x380, v2;
	v3 =	vadd.s32 v4, v3  }
0x35: {  	v0 =	vand.u32 $0x7F, v0;
	v2 =	vor.u32 v2, v3  }
0x36: {  	v5 =	vshll.u32 v1, $0x7;
	v4 =	vshrl.u32 v1, $0xC;
	v0 =	vor.u32 v0, v2  }
0x37: {  	s16 =	sshll.u32 s12, $0x6;
	vm1 =	veq.s32 v1, $0x80000000;
	v1 =	vand.u32 $0xF, v4;
	v4 =	vand.u32 $0x7FF80, v5  }
0x38: {  	s16 =	sand.u32 $0x40, s16;
	s18 =	sadd.s32 $0x10, s15;
	v3 =	vsel vm1, $0xFFFFFFFF, v1;
	v4 =	vsel vm1, $0xFFFFFF80, v4  }
0x39: {  	s17 =	simm.s32 $0x20;
	s15 =	sor.u32 $0x80, s14;
	s14 =	sor.u32 $0x80, s16;
	v1 =	vld.msk [tilespmem:s18+$0x0 ss:$0x1], $0xffff;
	v5 =	vand.u32 $0xFFFFFC00, v4;
	v6 =	vand.u32 $0xFFFFFC00, v3  }
0x3a: {  	s16 =	sadd.s32 $0x10, s15;
	s18 =	sadd.s32 $0x10, s18;
	(ifvalue) =	ssetifvalue $0x7FFFFFFF;
	v2 =	vand.u32 $0x7F, v3;
	v4 =	vand.u32 $0x380, v4;
	v3 =	vadd.s32 v6, v5  }
.LBB2_3:
0x3b: {  	[tilespmem:s15], [sflag:$0x1] =	stream.indirect_vreg.gather [hbm4b:s2+s10], $0x1, v0, vm0, $0x4038;
	[tilespmem:$0x100] =	vst v63  }
0x3c: {  	s17 =	sadd.s32 $0x10, s17  }
0x3d: {  	v3 =	vor.u32 v4, v3;
	p1 =	slt.u32 s17, $0x30  }
.Ltmp3:
0x3e: {  	v4 =	vshrl.u32 v1, $0xC;
	v5 =	vshll.u32 v1, $0x7;
	s15 =	smov.u32 s16;
	v0 =	vor.u32 v2, v3;
	v2 =	vmovc v1;
	v1 =	vld.msk [tilespmem:s18+$0x0 ss:$0x1], $0xffff;
	(pc) =	sbr.rel @p1 .LBB2_3-.Ltmp3, $4  }
0x3f: {  	v3 =	vand.u32 $0x7FF80, v5;
	vm1 =	veq.s32 v2, $0x80000000;
	v2 =	vand.u32 $0xF, v4  }
0x40: {  	v4 =	vsel vm1, $0xFFFFFFFF, v2;
	v5 =	vsel vm1, $0xFFFFFF80, v3  }
0x41: {  	v2 =	vand.u32 $0x7F, v4;
	v3 =	vand.u32 $0xFFFFFC00, v5;
	v4 =	vand.u32 $0xFFFFFC00, v4  }
0x42: {  	s16 =	sadd.s32 $0x10, s16;
	s18 =	sadd.s32 $0x10, s18;
	v3 =	vadd.s32 v4, v3;
	v4 =	vand.u32 $0x380, v5;
	(ifvalue) =	ssetifvalue $0x7FFFFFFF  }
.Ltmp4:
0x43: {  	_ = 	snop;
	(pc) =	sbr.rel .LBB2_4-.Ltmp4, $1  }
0x44: {  	_ =	sdelay $0x3  }
.LBB2_6:
0x45: {  	_ =	sfence.sel $0x180000  }
0x46: {  	s2 =	simm.s32 $0x2;
	[bflag:$0x0] =	sbarrier.arrive $0xFFFF  }
0x47: {  	s30 =	simm.s32 $0x3;
	[sflag:s2] =	ssyncpa.u1 $0x1  }
0x48: {  	s31 =	simm.s32 $0x1;
	[sflag:s30] =	ssyncpa.u1 $0x1  }
0x49: {  	[sflag:s31] =	ssyncpa.u1 $0x1  }
0x4a: {  	p0 =	sne.s32 s0, $0x0;
	_ =	strace $0x90000047  }
0x4b: {  	s0 =	sadd.s32 @!p0 $0x100000, s1;
	[bflag:$0x2] =	sbarrier.arrive $0xFFFF  }
0x4c: {  	[sflag:s0] =	ssyncadd.tile.s32 @!p0 $0x1;
	_ =	shalt  }
.Lfunc_end2:
_tile_overlayer_lowered:
.L_overlay_start_2:
0x4d: {  	(tag) =	ssettag $0x2  }
0x4e: {  	s0 =	rddreg [dreg:$0x0];
	s2 =	stileid.u32  }
0x4f: {  	s1 =	rddreg [dreg:$0x1];
	p0 =	sne.s32 s2, $0x0  }
0x50: {  	s3 =	rddreg [dreg:$0x2];
	[bflag:$0x3] =	sbarrier.arrive $0xFFFF;
	s2 =	simm.s32 @!p0 $0x1C01  }
0x51: {  	[timem:s3], [sflag:s2] =	dma.local @!p0 [hbm:s0], s1  }
0x52: {  	s0 =	simm.s32 @!p0 $0x1  }
0x53: {  	_ =	swait.ge @!p0 [sflag:s0], s1  }
0x54: {  	s1 =	ssub.s32 @!p0 $0x0, s1;
	[sflag:s0] =	ssyncset.done @!p0 $0x0  }
0x55: {  	[sflag:s0] =	ssyncadd.s32 @!p0 s1  }
0x56: {  	[bflag:$0x3] =	sbarrier.arrive $0xFFFF  }
0x57: {  	_ =	shalt  }

</sc_bundles>
